<compile_context>
chip_gen: v7x
topology: tpu7x:2x2x1
jax: 0.10.2.dev20260603
libtpu: 0.0.44.dev20260713+nightly
codegen_flags: <defaults>
</compile_context>

<pallas_src>
import jax
import jax.numpy as jnp
from jax import lax
from jax.experimental import pallas as pl
from jax.experimental.pallas import tpu as pltpu
from jax.experimental.pallas import tpu_sc as plsc

NC = 2
NS = 16
NW = NC * NS
CH = 128


def _mesh():
    return plsc.VectorSubcoreMesh(core_axis_name="c", subcore_axis_name="s")


def _sc_degree(ei, e, n_pad):
    per_w = e // NW
    full = per_w // CH
    rem = per_w - full * CH
    per_tile = n_pad // NS

    def body(ei_hbm, out_hbm, didx, ones_v, zb, acc, hs):
        c = lax.axis_index("c")
        s = lax.axis_index("s")
        wid = s * NC + c

        def fill_ones(i, carry):
            ones_v[pl.ds(i * 16, 16)] = jnp.ones((16,), jnp.float32)
            return carry

        lax.fori_loop(0, CH // 16, fill_ones, 0)

        def fill_z(i, carry):
            zb[pl.ds(i * 16, 16)] = jnp.zeros((16,), jnp.float32)
            return carry

        lax.fori_loop(0, per_tile // 16, fill_z, 0)
        pltpu.sync_copy(zb, acc.at[pl.ds(s * per_tile, per_tile)])
        pltpu.sync_copy(ei_hbm.at[pl.ds(e + wid * per_w, per_w)], didx)
        plsc.subcore_barrier()

        def chunk(i, carry):
            pltpu.async_copy(ones_v, acc.at[didx.at[pl.ds(i * CH, CH)]], hs,
                             add=True)
            return carry

        lax.fori_loop(0, full, chunk, 0)

        def drain(i, carry):
            pltpu.make_async_copy(ones_v,
                                  acc.at[didx.at[pl.ds(i * CH, CH)]],
                                  hs).wait()
            return carry

        lax.fori_loop(0, full, drain, 0)
        if rem:
            pltpu.sync_copy(ones_v.at[pl.ds(0, rem)],
                            acc.at[didx.at[pl.ds(full * CH, rem)]], add=True)
        plsc.subcore_barrier()
        pltpu.sync_copy(acc.at[pl.ds(s * per_tile, per_tile)],
                        out_hbm.at[pl.ds(c * n_pad + s * per_tile, per_tile)])

    return pl.kernel(
        body,
        out_type=jax.ShapeDtypeStruct((NC * n_pad,), jnp.float32),
        mesh=_mesh(),
        scratch_types=[
            pltpu.VMEM((per_w,), jnp.int32),
            pltpu.VMEM((CH,), jnp.float32),
            pltpu.VMEM((per_tile,), jnp.float32),
            pltpu.VMEM_SHARED((n_pad,), jnp.float32),
            pltpu.SemaphoreType.DMA,
        ],
    )(ei)


def _sc_aggregate(h, ei, e, tc_tiling=True):
    n, d = h.shape
    per_w = e // NW
    full = per_w // CH
    rem = per_w - full * CH
    ir = 1000
    ni = n // ir
    if d <= 64:
        stages = [(full, 0)]
        nbuf = 3 if full % 3 == 0 else 2
    else:
        s0 = -(-full // 2)
        s0 += s0 % 2
        stages = [(s0, 0), (full - s0, s0)]
        nbuf = 2
    buf_c = stages[0][0]

    def body(h_hbm, ei_hbm, out_hbm,
             sidx, didx, sidx_r, didx_r, rows, rows_r, acc, *gs):
        c = lax.axis_index("c")
        s = lax.axis_index("s")
        wid = s * NC + c
        rslice = pl.ds(s * ir, ir)
        base0 = wid * per_w

        def stage_in(sc, off_c):
            off = base0 + off_c * CH
            pltpu.sync_copy(ei_hbm.at[pl.ds(off, sc * CH)],
                            sidx.at[pl.ds(0, sc * CH)])
            pltpu.sync_copy(ei_hbm.at[pl.ds(e + off, sc * CH)],
                            didx.at[pl.ds(0, sc * CH)])
            for b in range(nbuf):
                pltpu.async_copy(h_hbm.at[sidx.at[pl.ds(b * CH, CH)]],
                                 rows.at[b], gs[b])

        stage_in(*stages[0])
        if rem:
            pltpu.sync_copy(ei_hbm.at[pl.ds(base0 + full * CH, rem)], sidx_r)
            pltpu.sync_copy(ei_hbm.at[pl.ds(e + base0 + full * CH, rem)],
                            didx_r)

        @pl.when(s < ni)
        def _():
            pltpu.sync_copy(h_hbm.at[rslice], acc.at[rslice])

        plsc.subcore_barrier()

        for si, (sc, off_c) in enumerate(stages):
            if si:
                stage_in(sc, off_c)

            def group(g, carry):
                i0 = nbuf * g
                for b in range(nbuf):
                    i = i0 + b
                    pltpu.make_async_copy(
                        h_hbm.at[sidx.at[pl.ds(i * CH, CH)]],
                        rows.at[b], gs[b]).wait()
                    pltpu.sync_copy(rows.at[b],
                                    acc.at[didx.at[pl.ds(i * CH, CH)]],
                                    add=True)

                    @pl.when(i + nbuf < sc)
                    def _():
                        pltpu.async_copy(
                            h_hbm.at[sidx.at[pl.ds((i + nbuf) * CH, CH)]],
                            rows.at[b], gs[b])

                return carry

            lax.fori_loop(0, sc // nbuf, group, 0)

        if rem:
            pltpu.async_copy(h_hbm.at[sidx_r], rows_r, gs[0]).wait()
            pltpu.sync_copy(rows_r, acc.at[didx_r], add=True)
        plsc.subcore_barrier()

        @pl.when(s < ni)
        def _():
            pltpu.sync_copy(acc.at[rslice],
                            out_hbm.at[pl.ds(c * n + s * ir, ir)])

    return pl.kernel(
        body,
        out_type=jax.ShapeDtypeStruct((NC * n, d), jnp.float32),
        mesh=_mesh(),
        scratch_types=[
            pltpu.VMEM((buf_c * CH,), jnp.int32),
            pltpu.VMEM((buf_c * CH,), jnp.int32),
            pltpu.VMEM((max(rem, 16),), jnp.int32),
            pltpu.VMEM((max(rem, 16),), jnp.int32),
            pltpu.VMEM((nbuf, CH, d), jnp.float32),
            pltpu.VMEM((max(rem, 16), d), jnp.float32),
            pltpu.VMEM_SHARED((n, d), jnp.float32),
        ] + [pltpu.SemaphoreType.DMA] * nbuf,
        compiler_params=pltpu.CompilerParams(use_tc_tiling_on_sc=tc_tiling),
    )(h, ei)


def _tc_layer1(x, w1, deg0, deg1, bs):
    n, d_in = x.shape
    d_hid = w1.shape[0]

    def body(x_ref, w_ref, d0_ref, d1_ref, o_ref):
        dv = lax.rsqrt(d0_ref[...] + d1_ref[...] + 1.0)
        hm = lax.dot_general(x_ref[...], w_ref[...], (((1,), (1,)), ((), ())),
                             preferred_element_type=jnp.float32)
        o_ref[...] = hm * dv

    return pl.pallas_call(
        body,
        grid=(n // bs,),
        in_specs=[
            pl.BlockSpec((bs, d_in), lambda i: (i, 0)),
            pl.BlockSpec((d_hid, d_in), lambda i: (0, 0)),
            pl.BlockSpec((bs, 1), lambda i: (i, 0)),
            pl.BlockSpec((bs, 1), lambda i: (i, 0)),
        ],
        out_specs=pl.BlockSpec((bs, d_hid), lambda i: (i, 0)),
        out_shape=jax.ShapeDtypeStruct((n, d_hid), jnp.float32),
    )(x, w1, deg0, deg1)


def _tc_layer2(p, h1, deg0, deg1, b1, w2, bs):
    d_hid = h1.shape[1]
    n = p.shape[0] // NC
    d_out = w2.shape[0]
    gn = n // bs

    def body(p0_ref, p1_ref, h_ref, d0_ref, d1_ref, b_ref, w_ref, o_ref):
        dv = lax.rsqrt(d0_ref[...] + d1_ref[...] + 1.0)
        agg = p0_ref[...] + p1_ref[...] - h_ref[...]
        x1 = jnp.maximum(agg * dv + b_ref[...], 0.0)
        h2 = lax.dot_general(x1, w_ref[...], (((1,), (1,)), ((), ())),
                             preferred_element_type=jnp.float32)
        o_ref[...] = h2 * dv

    return pl.pallas_call(
        body,
        grid=(gn,),
        in_specs=[
            pl.BlockSpec((bs, d_hid), lambda i: (i, 0)),
            pl.BlockSpec((bs, d_hid), lambda i: (i + gn, 0)),
            pl.BlockSpec((bs, d_hid), lambda i: (i, 0)),
            pl.BlockSpec((bs, 1), lambda i: (i, 0)),
            pl.BlockSpec((bs, 1), lambda i: (i, 0)),
            pl.BlockSpec((1, d_hid), lambda i: (0, 0)),
            pl.BlockSpec((d_out, d_hid), lambda i: (0, 0)),
        ],
        out_specs=pl.BlockSpec((bs, d_out), lambda i: (i, 0)),
        out_shape=jax.ShapeDtypeStruct((n, d_out), jnp.float32),
    )(p, p, h1, deg0, deg1, b1, w2)


def _tc_layer3(q, h2, deg0, deg1, b2, bs):
    d_out = h2.shape[1]
    n = q.shape[0] // NC
    gn = n // bs

    def body(q0_ref, q1_ref, h_ref, d0_ref, d1_ref, b_ref, o_ref):
        dv = lax.rsqrt(d0_ref[...] + d1_ref[...] + 1.0)
        agg = q0_ref[...] + q1_ref[...] - h_ref[...]
        z = agg * dv + b_ref[...]
        m = jnp.max(z, axis=1, keepdims=True)
        ez = jnp.exp(z - m)
        se = jnp.sum(ez, axis=1, keepdims=True)
        o_ref[...] = z - m - jnp.log(se)

    return pl.pallas_call(
        body,
        grid=(gn,),
        in_specs=[
            pl.BlockSpec((bs, d_out), lambda i: (i, 0)),
            pl.BlockSpec((bs, d_out), lambda i: (i + gn, 0)),
            pl.BlockSpec((bs, d_out), lambda i: (i, 0)),
            pl.BlockSpec((bs, 1), lambda i: (i, 0)),
            pl.BlockSpec((bs, 1), lambda i: (i, 0)),
            pl.BlockSpec((1, d_out), lambda i: (0, 0)),
        ],
        out_specs=pl.BlockSpec((bs, d_out), lambda i: (i, 0)),
        out_shape=jax.ShapeDtypeStruct((n, d_out), jnp.float32),
    )(q, q, h2, deg0, deg1, b2)


def kernel(x, edge_index, W1, b1, W2, b2):
    n, _ = x.shape
    d_hid = W1.shape[0]
    d_out = W2.shape[0]
    e = edge_index.shape[1]
    ei = edge_index.reshape(2 * e)

    per_tile = -(-n // NS)
    per_tile += (-per_tile) % 16
    n_pad = per_tile * NS

    degp = _sc_degree(ei, e, n_pad)
    deg0 = degp[:n].reshape(n, 1)
    deg1 = degp[n_pad:n_pad + n].reshape(n, 1)

    bs = 2000
    h1 = _tc_layer1(x, W1, deg0, deg1, bs)
    p = _sc_aggregate(h1, ei, e)
    h2 = _tc_layer2(p, h1, deg0, deg1, b1.reshape(1, d_hid), W2, bs)
    q = _sc_aggregate(h2, ei, e, tc_tiling=False)
    return _tc_layer3(q, h2, deg0, deg1, b2.reshape(1, d_out), bs)

# --- scband reference (transcript-rebuilt; emitter-appended) ---
"""Pipeline reference for scband-py-gcompatible-gcn-61864708932307 (READ-ONLY COPY).

The authoritative reference and input builder live on the scoring server;
editing this copy changes nothing except your own understanding.
"""

import jax, jax.numpy as jnp
import numpy as np

N = 10000
E = 320000
D_IN = 128
D_HID = 128
D_OUT = 64

def _glorot(key, shape):
    fan_out, fan_in = shape
    s = np.sqrt(6.0 / (fan_in + fan_out))
    return jax.random.uniform(key, shape, minval=-s, maxval=s, dtype=jnp.float32)

def setup_inputs(seed: int = 0) -> dict:
    key = jax.random.key(seed)
    k1, k2, k3, k4, k5, k6 = jax.random.split(key, 6)
    x = jax.random.normal(k1, (N, D_IN), dtype=jnp.float32)
    edge_index = jax.random.randint(k2, (2, E), 0, N, dtype=jnp.int32)
    W1 = _glorot(k3, (D_HID, D_IN))
    b1 = jnp.zeros((D_HID,), dtype=jnp.float32)
    W2 = _glorot(k4, (D_OUT, D_HID))
    b2 = jnp.zeros((D_OUT,), dtype=jnp.float32)
    return {"x": x, "edge_index": edge_index, "W1": W1, "b1": b1, "W2": W2, "b2": b2}

def reference(x, edge_index, W1, b1, W2, b2):
    # GCNConv with add_self_loops=True, symmetric normalization (PyG gcn_norm).
    n = x.shape[0]
    self_idx = jnp.arange(n, dtype=edge_index.dtype)
    src = jnp.concatenate([edge_index[0], self_idx])
    dst = jnp.concatenate([edge_index[1], self_idx])
    ew = jnp.ones(src.shape[0], dtype=jnp.float32)
    deg = jax.ops.segment_sum(ew, dst, num_segments=n)
    dinv = jnp.where(deg > 0, 1.0 / jnp.sqrt(deg), 0.0)
    norm = dinv[src] * dinv[dst]

    def gcn_conv(h, W, b):
        h = h @ W.T                      # linear transform (no bias inside lin)
        msg = h[src] * norm[:, None]     # gather + edge-wise scale
        out = jax.ops.segment_sum(msg, dst, num_segments=n)  # scatter-add
        return out + b

    x1 = jax.nn.relu(gcn_conv(x, W1, b1))
    # dropout is identity in eval / deterministic reference
    x2 = gcn_conv(x1, W2, b2)
    return jax.nn.log_softmax(x2, axis=1)

if __name__ == "__main__":
    import jax
    _d = setup_inputs()
    print(jax.jit(kernel)(*tuple(_d.values())))

</pallas_src>

<mosaic_0001>
#map = affine_map<(d0, d1) -> (0, 0)>
#map1 = affine_map<(d0, d1) -> (0)>
module attributes {stable_mosaic.version = 14 : i64} {
  func.func @body(%arg0: i32, %arg1: i32, %arg2: memref<10000x128xf32, #tpu.memory_space<hbm>>, %arg3: memref<640000xi32, #tpu.memory_space<hbm>>, %arg4: memref<20000x128xf32, #tpu.memory_space<hbm>>, %arg5: memref<5120xi32, #tpu.memory_space<vmem>>, %arg6: memref<5120xi32, #tpu.memory_space<vmem>>, %arg7: memref<16xi32, #tpu.memory_space<vmem>>, %arg8: memref<16xi32, #tpu.memory_space<vmem>>, %arg9: memref<2x128x128xf32, #tpu.memory_space<vmem>>, %arg10: memref<16x128xf32, #tpu.memory_space<vmem>>, %arg11: memref<10000x128xf32, #tpu.memory_space<vmem_shared>>, %arg12: memref<!tpu.dma_semaphore, #tpu.memory_space<semaphore_mem>>, %arg13: memref<!tpu.dma_semaphore, #tpu.memory_space<semaphore_mem>>) attributes {dimension_semantics = [#tpu.dimension_semantics<core_parallel>, #tpu.dimension_semantics<subcore_parallel>], iteration_bounds = array<i64: 2, 16>, scalar_prefetch = 0 : i64, scratch_operands = 9 : i64, tpu.core_type = #tpu.core_type<sc_vector_subcore>, window_params = [{transform_indices = #map}, {transform_indices = #map1}, {transform_indices = #map}]} {
    %mul3A = arith.constant 2 : i32
    %mul3A_0 = arith.muli %arg1, %mul3A : i32
    %add3A = arith.addi %mul3A_0, %arg0 : i32
    %mul3A_1 = arith.constant 1000 : i32
    %mul3A_2 = arith.muli %arg1, %mul3A_1 : i32
    %mul3A_3 = arith.constant 10000 : i32
    %mul3A_4 = arith.muli %add3A, %mul3A_3 : i32
    %add3A_5 = arith.constant 0 : i32
    %add3A_6 = arith.addi %mul3A_4, %add3A_5 : i32
    "tpu.region"() ({
      %run_scoped3A = tpu.sem_alloc : memref<!tpu.dma_semaphore, #tpu.memory_space<semaphore_mem>>
      %dma_start3A_82 = arith.constant 0 : i32
      %dma_start3A_83 = tpu.memref_slice %arg5[%dma_start3A_82] : memref<5120xi32, #tpu.memory_space<vmem>> -> memref<5120xi32, #tpu.memory_space<vmem>>
      %dma_start3A_84 = tpu.memref_slice %arg3[%add3A_6] : memref<640000xi32, #tpu.memory_space<hbm>> -> memref<5120xi32, #tpu.memory_space<hbm>>
      %dma_start3A_85 = arith.constant 0 : i32
      %dma_start3A_86 = tpu.memref_slice %arg5[%dma_start3A_85] : memref<5120xi32, #tpu.memory_space<vmem>> -> memref<5120xi32, #tpu.memory_space<vmem>>
      %dma_start3A_87 = tpu.memref_slice %arg3[%add3A_6] : memref<640000xi32, #tpu.memory_space<hbm>> -> memref<5120xi32, #tpu.memory_space<hbm>>
      tpu.enqueue_dma source(%dma_start3A_87 : memref<5120xi32, #tpu.memory_space<hbm>>) target(%dma_start3A_86 : memref<5120xi32, #tpu.memory_space<vmem>>) target_semaphore(%run_scoped3A : memref<!tpu.dma_semaphore, #tpu.memory_space<semaphore_mem>>)
      %dma_wait3A_88 = arith.constant 0 : i32
      %dma_wait3A_89 = tpu.memref_slice %arg5[%dma_wait3A_88] : memref<5120xi32, #tpu.memory_space<vmem>> -> memref<5120xi32, #tpu.memory_space<vmem>>
      %dma_wait3A_90 = tpu.memref_slice %arg3[%add3A_6] : memref<640000xi32, #tpu.memory_space<hbm>> -> memref<5120xi32, #tpu.memory_space<hbm>>
      %dma_wait3A_91 = arith.constant 0 : i32
      %dma_wait3A_92 = tpu.memref_slice %arg5[%dma_wait3A_91] : memref<5120xi32, #tpu.memory_space<vmem>> -> memref<5120xi32, #tpu.memory_space<vmem>>
      %dma_wait3A_93 = tpu.memref_slice %arg3[%add3A_6] : memref<640000xi32, #tpu.memory_space<hbm>> -> memref<5120xi32, #tpu.memory_space<hbm>>
      tpu.wait_dma2 semaphore(%run_scoped3A : memref<!tpu.dma_semaphore, #tpu.memory_space<semaphore_mem>>) src(%dma_wait3A_93 : memref<5120xi32, #tpu.memory_space<hbm>>) dst(%dma_wait3A_92 : memref<5120xi32, #tpu.memory_space<vmem>>)
      tpu.yield
    }) : () -> ()
    %add3A_7 = arith.constant 320000 : i32
    %add3A_8 = arith.addi %add3A_7, %add3A_6 : i32
    "tpu.region"() ({
      %run_scoped3A = tpu.sem_alloc : memref<!tpu.dma_semaphore, #tpu.memory_space<semaphore_mem>>
      %dma_start3A_82 = arith.constant 0 : i32
      %dma_start3A_83 = tpu.memref_slice %arg6[%dma_start3A_82] : memref<5120xi32, #tpu.memory_space<vmem>> -> memref<5120xi32, #tpu.memory_space<vmem>>
      %dma_start3A_84 = tpu.memref_slice %arg3[%add3A_8] : memref<640000xi32, #tpu.memory_space<hbm>> -> memref<5120xi32, #tpu.memory_space<hbm>>
      %dma_start3A_85 = arith.constant 0 : i32
      %dma_start3A_86 = tpu.memref_slice %arg6[%dma_start3A_85] : memref<5120xi32, #tpu.memory_space<vmem>> -> memref<5120xi32, #tpu.memory_space<vmem>>
      %dma_start3A_87 = tpu.memref_slice %arg3[%add3A_8] : memref<640000xi32, #tpu.memory_space<hbm>> -> memref<5120xi32, #tpu.memory_space<hbm>>
      tpu.enqueue_dma source(%dma_start3A_87 : memref<5120xi32, #tpu.memory_space<hbm>>) target(%dma_start3A_86 : memref<5120xi32, #tpu.memory_space<vmem>>) target_semaphore(%run_scoped3A : memref<!tpu.dma_semaphore, #tpu.memory_space<semaphore_mem>>)
      %dma_wait3A_88 = arith.constant 0 : i32
      %dma_wait3A_89 = tpu.memref_slice %arg6[%dma_wait3A_88] : memref<5120xi32, #tpu.memory_space<vmem>> -> memref<5120xi32, #tpu.memory_space<vmem>>
      %dma_wait3A_90 = tpu.memref_slice %arg3[%add3A_8] : memref<640000xi32, #tpu.memory_space<hbm>> -> memref<5120xi32, #tpu.memory_space<hbm>>
      %dma_wait3A_91 = arith.constant 0 : i32
      %dma_wait3A_92 = tpu.memref_slice %arg6[%dma_wait3A_91] : memref<5120xi32, #tpu.memory_space<vmem>> -> memref<5120xi32, #tpu.memory_space<vmem>>
      %dma_wait3A_93 = tpu.memref_slice %arg3[%add3A_8] : memref<640000xi32, #tpu.memory_space<hbm>> -> memref<5120xi32, #tpu.memory_space<hbm>>
      tpu.wait_dma2 semaphore(%run_scoped3A : memref<!tpu.dma_semaphore, #tpu.memory_space<semaphore_mem>>) src(%dma_wait3A_93 : memref<5120xi32, #tpu.memory_space<hbm>>) dst(%dma_wait3A_92 : memref<5120xi32, #tpu.memory_space<vmem>>)
      tpu.yield
    }) : () -> ()
    %dma_start3A = arith.constant 0 : i32
    %dma_start3A_9 = arith.constant 0 : i32
    %dma_start3A_10 = arith.constant 0 : i32
    %dma_start3A_11 = tpu.memref_slice %arg9[%dma_start3A, %dma_start3A_9, %dma_start3A_10] : memref<2x128x128xf32, #tpu.memory_space<vmem>> -> memref<1x128x128xf32, #tpu.memory_space<vmem>>
    %dma_start3A_12 = tpu.memref_squeeze %dma_start3A_11 : memref<1x128x128xf32, #tpu.memory_space<vmem>> -> memref<128x128xf32, #tpu.memory_space<vmem>>
    %dma_start3A_13 = arith.constant 0 : i32
    %dma_start3A_14 = tpu.memref_slice %arg5[%dma_start3A_13] : memref<5120xi32, #tpu.memory_space<vmem>> -> memref<128xi32, #tpu.memory_space<vmem>>
    %dma_start3A_15 = arith.constant 0 : i32
    %dma_start3A_16 = arith.constant 0 : i32
    %dma_start3A_17 = tpu.memref_slice %arg2[%dma_start3A_15, %dma_start3A_16] : memref<10000x128xf32, #tpu.memory_space<hbm>> -> memref<10000x128xf32, #tpu.memory_space<hbm>>
    tpu.enqueue_indirect_dma source(%dma_start3A_17 : memref<10000x128xf32, #tpu.memory_space<hbm>>) target(%dma_start3A_12 : memref<128x128xf32, #tpu.memory_space<vmem>>) offsets(%dma_start3A_14 : memref<128xi32, #tpu.memory_space<vmem>>) semaphore(%arg12 : memref<!tpu.dma_semaphore, #tpu.memory_space<semaphore_mem>>)
    %dma_start3A_18 = arith.constant 1 : i32
    %dma_start3A_19 = arith.constant 0 : i32
    %dma_start3A_20 = arith.constant 0 : i32
    %dma_start3A_21 = tpu.memref_slice %arg9[%dma_start3A_18, %dma_start3A_19, %dma_start3A_20] : memref<2x128x128xf32, #tpu.memory_space<vmem>> -> memref<1x128x128xf32, #tpu.memory_space<vmem>>
    %dma_start3A_22 = tpu.memref_squeeze %dma_start3A_21 : memref<1x128x128xf32, #tpu.memory_space<vmem>> -> memref<128x128xf32, #tpu.memory_space<vmem>>
    %dma_start3A_23 = arith.constant 128 : i32
    %dma_start3A_24 = tpu.memref_slice %arg5[%dma_start3A_23] : memref<5120xi32, #tpu.memory_space<vmem>> -> memref<128xi32, #tpu.memory_space<vmem>>
    %dma_start3A_25 = arith.constant 0 : i32
    %dma_start3A_26 = arith.constant 0 : i32
    %dma_start3A_27 = tpu.memref_slice %arg2[%dma_start3A_25, %dma_start3A_26] : memref<10000x128xf32, #tpu.memory_space<hbm>> -> memref<10000x128xf32, #tpu.memory_space<hbm>>
    tpu.enqueue_indirect_dma source(%dma_start3A_27 : memref<10000x128xf32, #tpu.memory_space<hbm>>) target(%dma_start3A_22 : memref<128x128xf32, #tpu.memory_space<vmem>>) offsets(%dma_start3A_24 : memref<128xi32, #tpu.memory_space<vmem>>) semaphore(%arg13 : memref<!tpu.dma_semaphore, #tpu.memory_space<semaphore_mem>>)
    %add3A_28 = arith.constant 9984 : i32
    %add3A_29 = arith.addi %mul3A_4, %add3A_28 : i32
    "tpu.region"() ({
      %run_scoped3A = tpu.sem_alloc : memref<!tpu.dma_semaphore, #tpu.memory_space<semaphore_mem>>
      %dma_start3A_82 = tpu.memref_slice %arg3[%add3A_29] : memref<640000xi32, #tpu.memory_space<hbm>> -> memref<16xi32, #tpu.memory_space<hbm>>
      %dma_start3A_83 = tpu.memref_slice %arg3[%add3A_29] : memref<640000xi32, #tpu.memory_space<hbm>> -> memref<16xi32, #tpu.memory_space<hbm>>
      tpu.enqueue_dma source(%dma_start3A_83 : memref<16xi32, #tpu.memory_space<hbm>>) target(%arg7 : memref<16xi32, #tpu.memory_space<vmem>>) target_semaphore(%run_scoped3A : memref<!tpu.dma_semaphore, #tpu.memory_space<semaphore_mem>>)
      %dma_wait3A_84 = tpu.memref_slice %arg3[%add3A_29] : memref<640000xi32, #tpu.memory_space<hbm>> -> memref<16xi32, #tpu.memory_space<hbm>>
      %dma_wait3A_85 = tpu.memref_slice %arg3[%add3A_29] : memref<640000xi32, #tpu.memory_space<hbm>> -> memref<16xi32, #tpu.memory_space<hbm>>
      tpu.wait_dma2 semaphore(%run_scoped3A : memref<!tpu.dma_semaphore, #tpu.memory_space<semaphore_mem>>) src(%dma_wait3A_85 : memref<16xi32, #tpu.memory_space<hbm>>) dst(%arg7 : memref<16xi32, #tpu.memory_space<vmem>>)
      tpu.yield
    }) : () -> ()
    %add3A_30 = arith.constant 320000 : i32
    %add3A_31 = arith.addi %add3A_30, %mul3A_4 : i32
    %add3A_32 = arith.constant 9984 : i32
    %add3A_33 = arith.addi %add3A_31, %add3A_32 : i32
    "tpu.region"() ({
      %run_scoped3A = tpu.sem_alloc : memref<!tpu.dma_semaphore, #tpu.memory_space<semaphore_mem>>
      %dma_start3A_82 = tpu.memref_slice %arg3[%add3A_33] : memref<640000xi32, #tpu.memory_space<hbm>> -> memref<16xi32, #tpu.memory_space<hbm>>
      %dma_start3A_83 = tpu.memref_slice %arg3[%add3A_33] : memref<640000xi32, #tpu.memory_space<hbm>> -> memref<16xi32, #tpu.memory_space<hbm>>
      tpu.enqueue_dma source(%dma_start3A_83 : memref<16xi32, #tpu.memory_space<hbm>>) target(%arg8 : memref<16xi32, #tpu.memory_space<vmem>>) target_semaphore(%run_scoped3A : memref<!tpu.dma_semaphore, #tpu.memory_space<semaphore_mem>>)
      %dma_wait3A_84 = tpu.memref_slice %arg3[%add3A_33] : memref<640000xi32, #tpu.memory_space<hbm>> -> memref<16xi32, #tpu.memory_space<hbm>>
      %dma_wait3A_85 = tpu.memref_slice %arg3[%add3A_33] : memref<640000xi32, #tpu.memory_space<hbm>> -> memref<16xi32, #tpu.memory_space<hbm>>
      tpu.wait_dma2 semaphore(%run_scoped3A : memref<!tpu.dma_semaphore, #tpu.memory_space<semaphore_mem>>) src(%dma_wait3A_85 : memref<16xi32, #tpu.memory_space<hbm>>) dst(%arg8 : memref<16xi32, #tpu.memory_space<vmem>>)
      tpu.yield
    }) : () -> ()
    %lt3A = arith.constant 10 : i32
    %lt3A_34 = arith.cmpi slt, %arg1, %lt3A : i32
    %convert_element_type3A = arith.extui %lt3A_34 : i1 to i32
    %cond3A = arith.constant 0 : i32
    %cond3A_35 = arith.cmpi ne, %convert_element_type3A, %cond3A : i32
    scf.if %cond3A_35 {
      "tpu.region"() ({
        %run_scoped3A = tpu.sem_alloc : memref<!tpu.dma_semaphore, #tpu.memory_space<semaphore_mem>>
        %dma_start3A_82 = arith.constant 0 : i32
        %dma_start3A_83 = tpu.memref_slice %arg11[%mul3A_2, %dma_start3A_82] : memref<10000x128xf32, #tpu.memory_space<vmem_shared>> -> memref<1000x128xf32, #tpu.memory_space<vmem_shared>>
        %dma_start3A_84 = arith.constant 0 : i32
        %dma_start3A_85 = tpu.memref_slice %arg2[%mul3A_2, %dma_start3A_84] : memref<10000x128xf32, #tpu.memory_space<hbm>> -> memref<1000x128xf32, #tpu.memory_space<hbm>>
        tpu.enqueue_dma source(%dma_start3A_85 : memref<1000x128xf32, #tpu.memory_space<hbm>>) target(%dma_start3A_83 : memref<1000x128xf32, #tpu.memory_space<vmem_shared>>) target_semaphore(%run_scoped3A : memref<!tpu.dma_semaphore, #tpu.memory_space<semaphore_mem>>)
        %dma_wait3A_86 = arith.constant 0 : i32
        %dma_wait3A_87 = tpu.memref_slice %arg11[%mul3A_2, %dma_wait3A_86] : memref<10000x128xf32, #tpu.memory_space<vmem_shared>> -> memref<1000x128xf32, #tpu.memory_space<vmem_shared>>
        %dma_wait3A_88 = arith.constant 0 : i32
        %dma_wait3A_89 = tpu.memref_slice %arg2[%mul3A_2, %dma_wait3A_88] : memref<10000x128xf32, #tpu.memory_space<hbm>> -> memref<1000x128xf32, #tpu.memory_space<hbm>>
        tpu.wait_dma2 semaphore(%run_scoped3A : memref<!tpu.dma_semaphore, #tpu.memory_space<semaphore_mem>>) src(%dma_wait3A_89 : memref<1000x128xf32, #tpu.memory_space<hbm>>) dst(%dma_wait3A_87 : memref<1000x128xf32, #tpu.memory_space<vmem_shared>>)
        tpu.yield
      }) : () -> ()
    } else {
    }
    %barrier3A = arith.constant 0 : index
    tpu.barrier barrier_id(%barrier3A)
    %scan3A = arith.constant 0 : i32
    %scan3A_36 = arith.constant 0 : i32
    %scan3A_37 = arith.constant 20 : i32
    %scan3A_38 = arith.addi %scan3A_36, %scan3A_37 : i32
    %scan3A_39 = arith.constant 1 : i32
    scf.for %scan3A_82 = %scan3A_36 to %scan3A_38 step %scan3A_39  : i32 {
      %mul3A_83 = arith.constant 2 : i32
      %mul3A_84 = arith.muli %mul3A_83, %scan3A_82 : i32
      %add3A_85 = arith.constant 0 : i32
      %add3A_86 = arith.addi %mul3A_84, %add3A_85 : i32
      %mul3A_87 = arith.constant 128 : i32
      %mul3A_88 = arith.muli %add3A_86, %mul3A_87 : i32
      %dma_wait3A_89 = arith.constant 0 : i32
      %dma_wait3A_90 = arith.constant 0 : i32
      %dma_wait3A_91 = arith.constant 0 : i32
      %dma_wait3A_92 = tpu.memref_slice %arg9[%dma_wait3A_89, %dma_wait3A_90, %dma_wait3A_91] : memref<2x128x128xf32, #tpu.memory_space<vmem>> -> memref<1x128x128xf32, #tpu.memory_space<vmem>>
      %dma_wait3A_93 = tpu.memref_squeeze %dma_wait3A_92 : memref<1x128x128xf32, #tpu.memory_space<vmem>> -> memref<128x128xf32, #tpu.memory_space<vmem>>
      %dma_wait3A_94 = tpu.memref_slice %arg5[%mul3A_88] : memref<5120xi32, #tpu.memory_space<vmem>> -> memref<128xi32, #tpu.memory_space<vmem>>
      %dma_wait3A_95 = arith.constant 0 : i32
      %dma_wait3A_96 = arith.constant 0 : i32
      %dma_wait3A_97 = tpu.memref_slice %arg2[%dma_wait3A_95, %dma_wait3A_96] : memref<10000x128xf32, #tpu.memory_space<hbm>> -> memref<10000x128xf32, #tpu.memory_space<hbm>>
      tpu.wait_indirect_dma semaphore(%arg12 : memref<!tpu.dma_semaphore, #tpu.memory_space<semaphore_mem>>) src(%dma_wait3A_97 : memref<10000x128xf32, #tpu.memory_space<hbm>>) dst(%dma_wait3A_93 : memref<128x128xf32, #tpu.memory_space<vmem>>)
      %mul3A_98 = arith.constant 128 : i32
      %mul3A_99 = arith.muli %add3A_86, %mul3A_98 : i32
      %run_scoped3A = arith.constant 0 : i32
      "tpu.region"() ({
        %run_scoped3A_130 = tpu.sem_alloc : memref<!tpu.dma_semaphore, #tpu.memory_space<semaphore_mem>>
        %dma_start3A_131 = arith.constant 0 : i32
        %dma_start3A_132 = arith.constant 0 : i32
        %dma_start3A_133 = tpu.memref_slice %arg9[%run_scoped3A, %dma_start3A_131, %dma_start3A_132] : memref<2x128x128xf32, #tpu.memory_space<vmem>> -> memref<1x128x128xf32, #tpu.memory_space<vmem>>
        %dma_start3A_134 = tpu.memref_squeeze %dma_start3A_133 : memref<1x128x128xf32, #tpu.memory_space<vmem>> -> memref<128x128xf32, #tpu.memory_space<vmem>>
        %dma_start3A_135 = tpu.memref_slice %arg6[%mul3A_99] : memref<5120xi32, #tpu.memory_space<vmem>> -> memref<128xi32, #tpu.memory_space<vmem>>
        %dma_start3A_136 = arith.constant 0 : i32
        %dma_start3A_137 = arith.constant 0 : i32
        %dma_start3A_138 = tpu.memref_slice %arg11[%dma_start3A_136, %dma_start3A_137] : memref<10000x128xf32, #tpu.memory_space<vmem_shared>> -> memref<10000x128xf32, #tpu.memory_space<vmem_shared>>
        tpu.enqueue_indirect_dma source(%dma_start3A_134 : memref<128x128xf32, #tpu.memory_space<vmem>>) target(%dma_start3A_138 : memref<10000x128xf32, #tpu.memory_space<vmem_shared>>) offsets(%dma_start3A_135 : memref<128xi32, #tpu.memory_space<vmem>>) semaphore(%run_scoped3A_130 : memref<!tpu.dma_semaphore, #tpu.memory_space<semaphore_mem>>) {add = true}
        %dma_wait3A_139 = arith.constant 0 : i32
        %dma_wait3A_140 = arith.constant 0 : i32
        %dma_wait3A_141 = tpu.memref_slice %arg9[%run_scoped3A, %dma_wait3A_139, %dma_wait3A_140] : memref<2x128x128xf32, #tpu.memory_space<vmem>> -> memref<1x128x128xf32, #tpu.memory_space<vmem>>
        %dma_wait3A_142 = tpu.memref_squeeze %dma_wait3A_141 : memref<1x128x128xf32, #tpu.memory_space<vmem>> -> memref<128x128xf32, #tpu.memory_space<vmem>>
        %dma_wait3A_143 = tpu.memref_slice %arg6[%mul3A_99] : memref<5120xi32, #tpu.memory_space<vmem>> -> memref<128xi32, #tpu.memory_space<vmem>>
        %dma_wait3A_144 = arith.constant 0 : i32
        %dma_wait3A_145 = arith.constant 0 : i32
        %dma_wait3A_146 = tpu.memref_slice %arg11[%dma_wait3A_144, %dma_wait3A_145] : memref<10000x128xf32, #tpu.memory_space<vmem_shared>> -> memref<10000x128xf32, #tpu.memory_space<vmem_shared>>
        tpu.wait_indirect_dma semaphore(%run_scoped3A_130 : memref<!tpu.dma_semaphore, #tpu.memory_space<semaphore_mem>>) src(%dma_wait3A_142 : memref<128x128xf32, #tpu.memory_space<vmem>>) dst(%dma_wait3A_146 : memref<10000x128xf32, #tpu.memory_space<vmem_shared>>)
        tpu.yield
      }) : () -> ()
      %add3A_100 = arith.constant 2 : i32
      %add3A_101 = arith.addi %add3A_86, %add3A_100 : i32
      %lt3A_102 = arith.constant 40 : i32
      %lt3A_103 = arith.cmpi slt, %add3A_101, %lt3A_102 : i32
      %convert_element_type3A_104 = arith.extui %lt3A_103 : i1 to i32
      %cond3A_105 = arith.constant 0 : i32
      %cond3A_106 = arith.cmpi ne, %convert_element_type3A_104, %cond3A_105 : i32
      scf.if %cond3A_106 {
        %add3A_130 = arith.constant 2 : i32
        %add3A_131 = arith.addi %add3A_86, %add3A_130 : i32
        %mul3A_132 = arith.constant 128 : i32
        %mul3A_133 = arith.muli %add3A_131, %mul3A_132 : i32
        %dma_start3A_134 = arith.constant 0 : i32
        %dma_start3A_135 = arith.constant 0 : i32
        %dma_start3A_136 = arith.constant 0 : i32
        %dma_start3A_137 = tpu.memref_slice %arg9[%dma_start3A_134, %dma_start3A_135, %dma_start3A_136] : memref<2x128x128xf32, #tpu.memory_space<vmem>> -> memref<1x128x128xf32, #tpu.memory_space<vmem>>
        %dma_start3A_138 = tpu.memref_squeeze %dma_start3A_137 : memref<1x128x128xf32, #tpu.memory_space<vmem>> -> memref<128x128xf32, #tpu.memory_space<vmem>>
        %dma_start3A_139 = tpu.memref_slice %arg5[%mul3A_133] : memref<5120xi32, #tpu.memory_space<vmem>> -> memref<128xi32, #tpu.memory_space<vmem>>
        %dma_start3A_140 = arith.constant 0 : i32
        %dma_start3A_141 = arith.constant 0 : i32
        %dma_start3A_142 = tpu.memref_slice %arg2[%dma_start3A_140, %dma_start3A_141] : memref<10000x128xf32, #tpu.memory_space<hbm>> -> memref<10000x128xf32, #tpu.memory_space<hbm>>
        tpu.enqueue_indirect_dma source(%dma_start3A_142 : memref<10000x128xf32, #tpu.memory_space<hbm>>) target(%dma_start3A_138 : memref<128x128xf32, #tpu.memory_space<vmem>>) offsets(%dma_start3A_139 : memref<128xi32, #tpu.memory_space<vmem>>) semaphore(%arg12 : memref<!tpu.dma_semaphore, #tpu.memory_space<semaphore_mem>>)
      } else {
      }
      %add3A_107 = arith.constant 1 : i32
      %add3A_108 = arith.addi %mul3A_84, %add3A_107 : i32
      %mul3A_109 = arith.constant 128 : i32
      %mul3A_110 = arith.muli %add3A_108, %mul3A_109 : i32
      %dma_wait3A_111 = arith.constant 1 : i32
      %dma_wait3A_112 = arith.constant 0 : i32
      %dma_wait3A_113 = arith.constant 0 : i32
      %dma_wait3A_114 = tpu.memref_slice %arg9[%dma_wait3A_111, %dma_wait3A_112, %dma_wait3A_113] : memref<2x128x128xf32, #tpu.memory_space<vmem>> -> memref<1x128x128xf32, #tpu.memory_space<vmem>>
      %dma_wait3A_115 = tpu.memref_squeeze %dma_wait3A_114 : memref<1x128x128xf32, #tpu.memory_space<vmem>> -> memref<128x128xf32, #tpu.memory_space<vmem>>
      %dma_wait3A_116 = tpu.memref_slice %arg5[%mul3A_110] : memref<5120xi32, #tpu.memory_space<vmem>> -> memref<128xi32, #tpu.memory_space<vmem>>
      %dma_wait3A_117 = arith.constant 0 : i32
      %dma_wait3A_118 = arith.constant 0 : i32
      %dma_wait3A_119 = tpu.memref_slice %arg2[%dma_wait3A_117, %dma_wait3A_118] : memref<10000x128xf32, #tpu.memory_space<hbm>> -> memref<10000x128xf32, #tpu.memory_space<hbm>>
      tpu.wait_indirect_dma semaphore(%arg13 : memref<!tpu.dma_semaphore, #tpu.memory_space<semaphore_mem>>) src(%dma_wait3A_119 : memref<10000x128xf32, #tpu.memory_space<hbm>>) dst(%dma_wait3A_115 : memref<128x128xf32, #tpu.memory_space<vmem>>)
      %mul3A_120 = arith.constant 128 : i32
      %mul3A_121 = arith.muli %add3A_108, %mul3A_120 : i32
      %run_scoped3A_122 = arith.constant 1 : i32
      "tpu.region"() ({
        %run_scoped3A_130 = tpu.sem_alloc : memref<!tpu.dma_semaphore, #tpu.memory_space<semaphore_mem>>
        %dma_start3A_131 = arith.constant 0 : i32
        %dma_start3A_132 = arith.constant 0 : i32
        %dma_start3A_133 = tpu.memref_slice %arg9[%run_scoped3A_122, %dma_start3A_131, %dma_start3A_132] : memref<2x128x128xf32, #tpu.memory_space<vmem>> -> memref<1x128x128xf32, #tpu.memory_space<vmem>>
        %dma_start3A_134 = tpu.memref_squeeze %dma_start3A_133 : memref<1x128x128xf32, #tpu.memory_space<vmem>> -> memref<128x128xf32, #tpu.memory_space<vmem>>
        %dma_start3A_135 = tpu.memref_slice %arg6[%mul3A_121] : memref<5120xi32, #tpu.memory_space<vmem>> -> memref<128xi32, #tpu.memory_space<vmem>>
        %dma_start3A_136 = arith.constant 0 : i32
        %dma_start3A_137 = arith.constant 0 : i32
        %dma_start3A_138 = tpu.memref_slice %arg11[%dma_start3A_136, %dma_start3A_137] : memref<10000x128xf32, #tpu.memory_space<vmem_shared>> -> memref<10000x128xf32, #tpu.memory_space<vmem_shared>>
        tpu.enqueue_indirect_dma source(%dma_start3A_134 : memref<128x128xf32, #tpu.memory_space<vmem>>) target(%dma_start3A_138 : memref<10000x128xf32, #tpu.memory_space<vmem_shared>>) offsets(%dma_start3A_135 : memref<128xi32, #tpu.memory_space<vmem>>) semaphore(%run_scoped3A_130 : memref<!tpu.dma_semaphore, #tpu.memory_space<semaphore_mem>>) {add = true}
        %dma_wait3A_139 = arith.constant 0 : i32
        %dma_wait3A_140 = arith.constant 0 : i32
        %dma_wait3A_141 = tpu.memref_slice %arg9[%run_scoped3A_122, %dma_wait3A_139, %dma_wait3A_140] : memref<2x128x128xf32, #tpu.memory_space<vmem>> -> memref<1x128x128xf32, #tpu.memory_space<vmem>>
        %dma_wait3A_142 = tpu.memref_squeeze %dma_wait3A_141 : memref<1x128x128xf32, #tpu.memory_space<vmem>> -> memref<128x128xf32, #tpu.memory_space<vmem>>
        %dma_wait3A_143 = tpu.memref_slice %arg6[%mul3A_121] : memref<5120xi32, #tpu.memory_space<vmem>> -> memref<128xi32, #tpu.memory_space<vmem>>
        %dma_wait3A_144 = arith.constant 0 : i32
        %dma_wait3A_145 = arith.constant 0 : i32
        %dma_wait3A_146 = tpu.memref_slice %arg11[%dma_wait3A_144, %dma_wait3A_145] : memref<10000x128xf32, #tpu.memory_space<vmem_shared>> -> memref<10000x128xf32, #tpu.memory_space<vmem_shared>>
        tpu.wait_indirect_dma semaphore(%run_scoped3A_130 : memref<!tpu.dma_semaphore, #tpu.memory_space<semaphore_mem>>) src(%dma_wait3A_142 : memref<128x128xf32, #tpu.memory_space<vmem>>) dst(%dma_wait3A_146 : memref<10000x128xf32, #tpu.memory_space<vmem_shared>>)
        tpu.yield
      }) : () -> ()
      %add3A_123 = arith.constant 2 : i32
      %add3A_124 = arith.addi %add3A_108, %add3A_123 : i32
      %lt3A_125 = arith.constant 40 : i32
      %lt3A_126 = arith.cmpi slt, %add3A_124, %lt3A_125 : i32
      %convert_element_type3A_127 = arith.extui %lt3A_126 : i1 to i32
      %cond3A_128 = arith.constant 0 : i32
      %cond3A_129 = arith.cmpi ne, %convert_element_type3A_127, %cond3A_128 : i32
      scf.if %cond3A_129 {
        %add3A_130 = arith.constant 2 : i32
        %add3A_131 = arith.addi %add3A_108, %add3A_130 : i32
        %mul3A_132 = arith.constant 128 : i32
        %mul3A_133 = arith.muli %add3A_131, %mul3A_132 : i32
        %dma_start3A_134 = arith.constant 1 : i32
        %dma_start3A_135 = arith.constant 0 : i32
        %dma_start3A_136 = arith.constant 0 : i32
        %dma_start3A_137 = tpu.memref_slice %arg9[%dma_start3A_134, %dma_start3A_135, %dma_start3A_136] : memref<2x128x128xf32, #tpu.memory_space<vmem>> -> memref<1x128x128xf32, #tpu.memory_space<vmem>>
        %dma_start3A_138 = tpu.memref_squeeze %dma_start3A_137 : memref<1x128x128xf32, #tpu.memory_space<vmem>> -> memref<128x128xf32, #tpu.memory_space<vmem>>
        %dma_start3A_139 = tpu.memref_slice %arg5[%mul3A_133] : memref<5120xi32, #tpu.memory_space<vmem>> -> memref<128xi32, #tpu.memory_space<vmem>>
        %dma_start3A_140 = arith.constant 0 : i32
        %dma_start3A_141 = arith.constant 0 : i32
        %dma_start3A_142 = tpu.memref_slice %arg2[%dma_start3A_140, %dma_start3A_141] : memref<10000x128xf32, #tpu.memory_space<hbm>> -> memref<10000x128xf32, #tpu.memory_space<hbm>>
        tpu.enqueue_indirect_dma source(%dma_start3A_142 : memref<10000x128xf32, #tpu.memory_space<hbm>>) target(%dma_start3A_138 : memref<128x128xf32, #tpu.memory_space<vmem>>) offsets(%dma_start3A_139 : memref<128xi32, #tpu.memory_space<vmem>>) semaphore(%arg13 : memref<!tpu.dma_semaphore, #tpu.memory_space<semaphore_mem>>)
      } else {
      }
    }
    %scan3A_40 = arith.constant 20 : i32
    %add3A_41 = arith.constant 5120 : i32
    %add3A_42 = arith.addi %mul3A_4, %add3A_41 : i32
    "tpu.region"() ({
      %run_scoped3A = tpu.sem_alloc : memref<!tpu.dma_semaphore, #tpu.memory_space<semaphore_mem>>
      %dma_start3A_82 = arith.constant 0 : i32
      %dma_start3A_83 = tpu.memref_slice %arg5[%dma_start3A_82] : memref<5120xi32, #tpu.memory_space<vmem>> -> memref<4864xi32, #tpu.memory_space<vmem>>
      %dma_start3A_84 = tpu.memref_slice %arg3[%add3A_42] : memref<640000xi32, #tpu.memory_space<hbm>> -> memref<4864xi32, #tpu.memory_space<hbm>>
      %dma_start3A_85 = arith.constant 0 : i32
      %dma_start3A_86 = tpu.memref_slice %arg5[%dma_start3A_85] : memref<5120xi32, #tpu.memory_space<vmem>> -> memref<4864xi32, #tpu.memory_space<vmem>>
      %dma_start3A_87 = tpu.memref_slice %arg3[%add3A_42] : memref<640000xi32, #tpu.memory_space<hbm>> -> memref<4864xi32, #tpu.memory_space<hbm>>
      tpu.enqueue_dma source(%dma_start3A_87 : memref<4864xi32, #tpu.memory_space<hbm>>) target(%dma_start3A_86 : memref<4864xi32, #tpu.memory_space<vmem>>) target_semaphore(%run_scoped3A : memref<!tpu.dma_semaphore, #tpu.memory_space<semaphore_mem>>)
      %dma_wait3A_88 = arith.constant 0 : i32
      %dma_wait3A_89 = tpu.memref_slice %arg5[%dma_wait3A_88] : memref<5120xi32, #tpu.memory_space<vmem>> -> memref<4864xi32, #tpu.memory_space<vmem>>
      %dma_wait3A_90 = tpu.memref_slice %arg3[%add3A_42] : memref<640000xi32, #tpu.memory_space<hbm>> -> memref<4864xi32, #tpu.memory_space<hbm>>
      %dma_wait3A_91 = arith.constant 0 : i32
      %dma_wait3A_92 = tpu.memref_slice %arg5[%dma_wait3A_91] : memref<5120xi32, #tpu.memory_space<vmem>> -> memref<4864xi32, #tpu.memory_space<vmem>>
      %dma_wait3A_93 = tpu.memref_slice %arg3[%add3A_42] : memref<640000xi32, #tpu.memory_space<hbm>> -> memref<4864xi32, #tpu.memory_space<hbm>>
      tpu.wait_dma2 semaphore(%run_scoped3A : memref<!tpu.dma_semaphore, #tpu.memory_space<semaphore_mem>>) src(%dma_wait3A_93 : memref<4864xi32, #tpu.memory_space<hbm>>) dst(%dma_wait3A_92 : memref<4864xi32, #tpu.memory_space<vmem>>)
      tpu.yield
    }) : () -> ()
    %add3A_43 = arith.constant 320000 : i32
    %add3A_44 = arith.addi %add3A_43, %add3A_42 : i32
    "tpu.region"() ({
      %run_scoped3A = tpu.sem_alloc : memref<!tpu.dma_semaphore, #tpu.memory_space<semaphore_mem>>
      %dma_start3A_82 = arith.constant 0 : i32
      %dma_start3A_83 = tpu.memref_slice %arg6[%dma_start3A_82] : memref<5120xi32, #tpu.memory_space<vmem>> -> memref<4864xi32, #tpu.memory_space<vmem>>
      %dma_start3A_84 = tpu.memref_slice %arg3[%add3A_44] : memref<640000xi32, #tpu.memory_space<hbm>> -> memref<4864xi32, #tpu.memory_space<hbm>>
      %dma_start3A_85 = arith.constant 0 : i32
      %dma_start3A_86 = tpu.memref_slice %arg6[%dma_start3A_85] : memref<5120xi32, #tpu.memory_space<vmem>> -> memref<4864xi32, #tpu.memory_space<vmem>>
      %dma_start3A_87 = tpu.memref_slice %arg3[%add3A_44] : memref<640000xi32, #tpu.memory_space<hbm>> -> memref<4864xi32, #tpu.memory_space<hbm>>
      tpu.enqueue_dma source(%dma_start3A_87 : memref<4864xi32, #tpu.memory_space<hbm>>) target(%dma_start3A_86 : memref<4864xi32, #tpu.memory_space<vmem>>) target_semaphore(%run_scoped3A : memref<!tpu.dma_semaphore, #tpu.memory_space<semaphore_mem>>)
      %dma_wait3A_88 = arith.constant 0 : i32
      %dma_wait3A_89 = tpu.memref_slice %arg6[%dma_wait3A_88] : memref<5120xi32, #tpu.memory_space<vmem>> -> memref<4864xi32, #tpu.memory_space<vmem>>
      %dma_wait3A_90 = tpu.memref_slice %arg3[%add3A_44] : memref<640000xi32, #tpu.memory_space<hbm>> -> memref<4864xi32, #tpu.memory_space<hbm>>
      %dma_wait3A_91 = arith.constant 0 : i32
      %dma_wait3A_92 = tpu.memref_slice %arg6[%dma_wait3A_91] : memref<5120xi32, #tpu.memory_space<vmem>> -> memref<4864xi32, #tpu.memory_space<vmem>>
      %dma_wait3A_93 = tpu.memref_slice %arg3[%add3A_44] : memref<640000xi32, #tpu.memory_space<hbm>> -> memref<4864xi32, #tpu.memory_space<hbm>>
      tpu.wait_dma2 semaphore(%run_scoped3A : memref<!tpu.dma_semaphore, #tpu.memory_space<semaphore_mem>>) src(%dma_wait3A_93 : memref<4864xi32, #tpu.memory_space<hbm>>) dst(%dma_wait3A_92 : memref<4864xi32, #tpu.memory_space<vmem>>)
      tpu.yield
    }) : () -> ()
    %dma_start3A_45 = arith.constant 0 : i32
    %dma_start3A_46 = arith.constant 0 : i32
    %dma_start3A_47 = arith.constant 0 : i32
    %dma_start3A_48 = tpu.memref_slice %arg9[%dma_start3A_45, %dma_start3A_46, %dma_start3A_47] : memref<2x128x128xf32, #tpu.memory_space<vmem>> -> memref<1x128x128xf32, #tpu.memory_space<vmem>>
    %dma_start3A_49 = tpu.memref_squeeze %dma_start3A_48 : memref<1x128x128xf32, #tpu.memory_space<vmem>> -> memref<128x128xf32, #tpu.memory_space<vmem>>
    %dma_start3A_50 = arith.constant 0 : i32
    %dma_start3A_51 = tpu.memref_slice %arg5[%dma_start3A_50] : memref<5120xi32, #tpu.memory_space<vmem>> -> memref<128xi32, #tpu.memory_space<vmem>>
    %dma_start3A_52 = arith.constant 0 : i32
    %dma_start3A_53 = arith.constant 0 : i32
    %dma_start3A_54 = tpu.memref_slice %arg2[%dma_start3A_52, %dma_start3A_53] : memref<10000x128xf32, #tpu.memory_space<hbm>> -> memref<10000x128xf32, #tpu.memory_space<hbm>>
    tpu.enqueue_indirect_dma source(%dma_start3A_54 : memref<10000x128xf32, #tpu.memory_space<hbm>>) target(%dma_start3A_49 : memref<128x128xf32, #tpu.memory_space<vmem>>) offsets(%dma_start3A_51 : memref<128xi32, #tpu.memory_space<vmem>>) semaphore(%arg12 : memref<!tpu.dma_semaphore, #tpu.memory_space<semaphore_mem>>)
    %dma_start3A_55 = arith.constant 1 : i32
    %dma_start3A_56 = arith.constant 0 : i32
    %dma_start3A_57 = arith.constant 0 : i32
    %dma_start3A_58 = tpu.memref_slice %arg9[%dma_start3A_55, %dma_start3A_56, %dma_start3A_57] : memref<2x128x128xf32, #tpu.memory_space<vmem>> -> memref<1x128x128xf32, #tpu.memory_space<vmem>>
    %dma_start3A_59 = tpu.memref_squeeze %dma_start3A_58 : memref<1x128x128xf32, #tpu.memory_space<vmem>> -> memref<128x128xf32, #tpu.memory_space<vmem>>
    %dma_start3A_60 = arith.constant 128 : i32
    %dma_start3A_61 = tpu.memref_slice %arg5[%dma_start3A_60] : memref<5120xi32, #tpu.memory_space<vmem>> -> memref<128xi32, #tpu.memory_space<vmem>>
    %dma_start3A_62 = arith.constant 0 : i32
    %dma_start3A_63 = arith.constant 0 : i32
    %dma_start3A_64 = tpu.memref_slice %arg2[%dma_start3A_62, %dma_start3A_63] : memref<10000x128xf32, #tpu.memory_space<hbm>> -> memref<10000x128xf32, #tpu.memory_space<hbm>>
    tpu.enqueue_indirect_dma source(%dma_start3A_64 : memref<10000x128xf32, #tpu.memory_space<hbm>>) target(%dma_start3A_59 : memref<128x128xf32, #tpu.memory_space<vmem>>) offsets(%dma_start3A_61 : memref<128xi32, #tpu.memory_space<vmem>>) semaphore(%arg13 : memref<!tpu.dma_semaphore, #tpu.memory_space<semaphore_mem>>)
    %scan3A_65 = arith.constant 0 : i32
    %scan3A_66 = arith.constant 0 : i32
    %scan3A_67 = arith.constant 19 : i32
    %scan3A_68 = arith.addi %scan3A_66, %scan3A_67 : i32
    %scan3A_69 = arith.constant 1 : i32
    scf.for %scan3A_82 = %scan3A_66 to %scan3A_68 step %scan3A_69  : i32 {
      %mul3A_83 = arith.constant 2 : i32
      %mul3A_84 = arith.muli %mul3A_83, %scan3A_82 : i32
      %add3A_85 = arith.constant 0 : i32
      %add3A_86 = arith.addi %mul3A_84, %add3A_85 : i32
      %mul3A_87 = arith.constant 128 : i32
      %mul3A_88 = arith.muli %add3A_86, %mul3A_87 : i32
      %dma_wait3A_89 = arith.constant 0 : i32
      %dma_wait3A_90 = arith.constant 0 : i32
      %dma_wait3A_91 = arith.constant 0 : i32
      %dma_wait3A_92 = tpu.memref_slice %arg9[%dma_wait3A_89, %dma_wait3A_90, %dma_wait3A_91] : memref<2x128x128xf32, #tpu.memory_space<vmem>> -> memref<1x128x128xf32, #tpu.memory_space<vmem>>
      %dma_wait3A_93 = tpu.memref_squeeze %dma_wait3A_92 : memref<1x128x128xf32, #tpu.memory_space<vmem>> -> memref<128x128xf32, #tpu.memory_space<vmem>>
      %dma_wait3A_94 = tpu.memref_slice %arg5[%mul3A_88] : memref<5120xi32, #tpu.memory_space<vmem>> -> memref<128xi32, #tpu.memory_space<vmem>>
      %dma_wait3A_95 = arith.constant 0 : i32
      %dma_wait3A_96 = arith.constant 0 : i32
      %dma_wait3A_97 = tpu.memref_slice %arg2[%dma_wait3A_95, %dma_wait3A_96] : memref<10000x128xf32, #tpu.memory_space<hbm>> -> memref<10000x128xf32, #tpu.memory_space<hbm>>
      tpu.wait_indirect_dma semaphore(%arg12 : memref<!tpu.dma_semaphore, #tpu.memory_space<semaphore_mem>>) src(%dma_wait3A_97 : memref<10000x128xf32, #tpu.memory_space<hbm>>) dst(%dma_wait3A_93 : memref<128x128xf32, #tpu.memory_space<vmem>>)
      %mul3A_98 = arith.constant 128 : i32
      %mul3A_99 = arith.muli %add3A_86, %mul3A_98 : i32
      %run_scoped3A = arith.constant 0 : i32
      "tpu.region"() ({
        %run_scoped3A_130 = tpu.sem_alloc : memref<!tpu.dma_semaphore, #tpu.memory_space<semaphore_mem>>
        %dma_start3A_131 = arith.constant 0 : i32
        %dma_start3A_132 = arith.constant 0 : i32
        %dma_start3A_133 = tpu.memref_slice %arg9[%run_scoped3A, %dma_start3A_131, %dma_start3A_132] : memref<2x128x128xf32, #tpu.memory_space<vmem>> -> memref<1x128x128xf32, #tpu.memory_space<vmem>>
        %dma_start3A_134 = tpu.memref_squeeze %dma_start3A_133 : memref<1x128x128xf32, #tpu.memory_space<vmem>> -> memref<128x128xf32, #tpu.memory_space<vmem>>
        %dma_start3A_135 = tpu.memref_slice %arg6[%mul3A_99] : memref<5120xi32, #tpu.memory_space<vmem>> -> memref<128xi32, #tpu.memory_space<vmem>>
        %dma_start3A_136 = arith.constant 0 : i32
        %dma_start3A_137 = arith.constant 0 : i32
        %dma_start3A_138 = tpu.memref_slice %arg11[%dma_start3A_136, %dma_start3A_137] : memref<10000x128xf32, #tpu.memory_space<vmem_shared>> -> memref<10000x128xf32, #tpu.memory_space<vmem_shared>>
        tpu.enqueue_indirect_dma source(%dma_start3A_134 : memref<128x128xf32, #tpu.memory_space<vmem>>) target(%dma_start3A_138 : memref<10000x128xf32, #tpu.memory_space<vmem_shared>>) offsets(%dma_start3A_135 : memref<128xi32, #tpu.memory_space<vmem>>) semaphore(%run_scoped3A_130 : memref<!tpu.dma_semaphore, #tpu.memory_space<semaphore_mem>>) {add = true}
        %dma_wait3A_139 = arith.constant 0 : i32
        %dma_wait3A_140 = arith.constant 0 : i32
        %dma_wait3A_141 = tpu.memref_slice %arg9[%run_scoped3A, %dma_wait3A_139, %dma_wait3A_140] : memref<2x128x128xf32, #tpu.memory_space<vmem>> -> memref<1x128x128xf32, #tpu.memory_space<vmem>>
        %dma_wait3A_142 = tpu.memref_squeeze %dma_wait3A_141 : memref<1x128x128xf32, #tpu.memory_space<vmem>> -> memref<128x128xf32, #tpu.memory_space<vmem>>
        %dma_wait3A_143 = tpu.memref_slice %arg6[%mul3A_99] : memref<5120xi32, #tpu.memory_space<vmem>> -> memref<128xi32, #tpu.memory_space<vmem>>
        %dma_wait3A_144 = arith.constant 0 : i32
        %dma_wait3A_145 = arith.constant 0 : i32
        %dma_wait3A_146 = tpu.memref_slice %arg11[%dma_wait3A_144, %dma_wait3A_145] : memref<10000x128xf32, #tpu.memory_space<vmem_shared>> -> memref<10000x128xf32, #tpu.memory_space<vmem_shared>>
        tpu.wait_indirect_dma semaphore(%run_scoped3A_130 : memref<!tpu.dma_semaphore, #tpu.memory_space<semaphore_mem>>) src(%dma_wait3A_142 : memref<128x128xf32, #tpu.memory_space<vmem>>) dst(%dma_wait3A_146 : memref<10000x128xf32, #tpu.memory_space<vmem_shared>>)
        tpu.yield
      }) : () -> ()
      %add3A_100 = arith.constant 2 : i32
      %add3A_101 = arith.addi %add3A_86, %add3A_100 : i32
      %lt3A_102 = arith.constant 38 : i32
      %lt3A_103 = arith.cmpi slt, %add3A_101, %lt3A_102 : i32
      %convert_element_type3A_104 = arith.extui %lt3A_103 : i1 to i32
      %cond3A_105 = arith.constant 0 : i32
      %cond3A_106 = arith.cmpi ne, %convert_element_type3A_104, %cond3A_105 : i32
      scf.if %cond3A_106 {
        %add3A_130 = arith.constant 2 : i32
        %add3A_131 = arith.addi %add3A_86, %add3A_130 : i32
        %mul3A_132 = arith.constant 128 : i32
        %mul3A_133 = arith.muli %add3A_131, %mul3A_132 : i32
        %dma_start3A_134 = arith.constant 0 : i32
        %dma_start3A_135 = arith.constant 0 : i32
        %dma_start3A_136 = arith.constant 0 : i32
        %dma_start3A_137 = tpu.memref_slice %arg9[%dma_start3A_134, %dma_start3A_135, %dma_start3A_136] : memref<2x128x128xf32, #tpu.memory_space<vmem>> -> memref<1x128x128xf32, #tpu.memory_space<vmem>>
        %dma_start3A_138 = tpu.memref_squeeze %dma_start3A_137 : memref<1x128x128xf32, #tpu.memory_space<vmem>> -> memref<128x128xf32, #tpu.memory_space<vmem>>
        %dma_start3A_139 = tpu.memref_slice %arg5[%mul3A_133] : memref<5120xi32, #tpu.memory_space<vmem>> -> memref<128xi32, #tpu.memory_space<vmem>>
        %dma_start3A_140 = arith.constant 0 : i32
        %dma_start3A_141 = arith.constant 0 : i32
        %dma_start3A_142 = tpu.memref_slice %arg2[%dma_start3A_140, %dma_start3A_141] : memref<10000x128xf32, #tpu.memory_space<hbm>> -> memref<10000x128xf32, #tpu.memory_space<hbm>>
        tpu.enqueue_indirect_dma source(%dma_start3A_142 : memref<10000x128xf32, #tpu.memory_space<hbm>>) target(%dma_start3A_138 : memref<128x128xf32, #tpu.memory_space<vmem>>) offsets(%dma_start3A_139 : memref<128xi32, #tpu.memory_space<vmem>>) semaphore(%arg12 : memref<!tpu.dma_semaphore, #tpu.memory_space<semaphore_mem>>)
      } else {
      }
      %add3A_107 = arith.constant 1 : i32
      %add3A_108 = arith.addi %mul3A_84, %add3A_107 : i32
      %mul3A_109 = arith.constant 128 : i32
      %mul3A_110 = arith.muli %add3A_108, %mul3A_109 : i32
      %dma_wait3A_111 = arith.constant 1 : i32
      %dma_wait3A_112 = arith.constant 0 : i32
      %dma_wait3A_113 = arith.constant 0 : i32
      %dma_wait3A_114 = tpu.memref_slice %arg9[%dma_wait3A_111, %dma_wait3A_112, %dma_wait3A_113] : memref<2x128x128xf32, #tpu.memory_space<vmem>> -> memref<1x128x128xf32, #tpu.memory_space<vmem>>
      %dma_wait3A_115 = tpu.memref_squeeze %dma_wait3A_114 : memref<1x128x128xf32, #tpu.memory_space<vmem>> -> memref<128x128xf32, #tpu.memory_space<vmem>>
      %dma_wait3A_116 = tpu.memref_slice %arg5[%mul3A_110] : memref<5120xi32, #tpu.memory_space<vmem>> -> memref<128xi32, #tpu.memory_space<vmem>>
      %dma_wait3A_117 = arith.constant 0 : i32
      %dma_wait3A_118 = arith.constant 0 : i32
      %dma_wait3A_119 = tpu.memref_slice %arg2[%dma_wait3A_117, %dma_wait3A_118] : memref<10000x128xf32, #tpu.memory_space<hbm>> -> memref<10000x128xf32, #tpu.memory_space<hbm>>
      tpu.wait_indirect_dma semaphore(%arg13 : memref<!tpu.dma_semaphore, #tpu.memory_space<semaphore_mem>>) src(%dma_wait3A_119 : memref<10000x128xf32, #tpu.memory_space<hbm>>) dst(%dma_wait3A_115 : memref<128x128xf32, #tpu.memory_space<vmem>>)
      %mul3A_120 = arith.constant 128 : i32
      %mul3A_121 = arith.muli %add3A_108, %mul3A_120 : i32
      %run_scoped3A_122 = arith.constant 1 : i32
      "tpu.region"() ({
        %run_scoped3A_130 = tpu.sem_alloc : memref<!tpu.dma_semaphore, #tpu.memory_space<semaphore_mem>>
        %dma_start3A_131 = arith.constant 0 : i32
        %dma_start3A_132 = arith.constant 0 : i32
        %dma_start3A_133 = tpu.memref_slice %arg9[%run_scoped3A_122, %dma_start3A_131, %dma_start3A_132] : memref<2x128x128xf32, #tpu.memory_space<vmem>> -> memref<1x128x128xf32, #tpu.memory_space<vmem>>
        %dma_start3A_134 = tpu.memref_squeeze %dma_start3A_133 : memref<1x128x128xf32, #tpu.memory_space<vmem>> -> memref<128x128xf32, #tpu.memory_space<vmem>>
        %dma_start3A_135 = tpu.memref_slice %arg6[%mul3A_121] : memref<5120xi32, #tpu.memory_space<vmem>> -> memref<128xi32, #tpu.memory_space<vmem>>
        %dma_start3A_136 = arith.constant 0 : i32
        %dma_start3A_137 = arith.constant 0 : i32
        %dma_start3A_138 = tpu.memref_slice %arg11[%dma_start3A_136, %dma_start3A_137] : memref<10000x128xf32, #tpu.memory_space<vmem_shared>> -> memref<10000x128xf32, #tpu.memory_space<vmem_shared>>
        tpu.enqueue_indirect_dma source(%dma_start3A_134 : memref<128x128xf32, #tpu.memory_space<vmem>>) target(%dma_start3A_138 : memref<10000x128xf32, #tpu.memory_space<vmem_shared>>) offsets(%dma_start3A_135 : memref<128xi32, #tpu.memory_space<vmem>>) semaphore(%run_scoped3A_130 : memref<!tpu.dma_semaphore, #tpu.memory_space<semaphore_mem>>) {add = true}
        %dma_wait3A_139 = arith.constant 0 : i32
        %dma_wait3A_140 = arith.constant 0 : i32
        %dma_wait3A_141 = tpu.memref_slice %arg9[%run_scoped3A_122, %dma_wait3A_139, %dma_wait3A_140] : memref<2x128x128xf32, #tpu.memory_space<vmem>> -> memref<1x128x128xf32, #tpu.memory_space<vmem>>
        %dma_wait3A_142 = tpu.memref_squeeze %dma_wait3A_141 : memref<1x128x128xf32, #tpu.memory_space<vmem>> -> memref<128x128xf32, #tpu.memory_space<vmem>>
        %dma_wait3A_143 = tpu.memref_slice %arg6[%mul3A_121] : memref<5120xi32, #tpu.memory_space<vmem>> -> memref<128xi32, #tpu.memory_space<vmem>>
        %dma_wait3A_144 = arith.constant 0 : i32
        %dma_wait3A_145 = arith.constant 0 : i32
        %dma_wait3A_146 = tpu.memref_slice %arg11[%dma_wait3A_144, %dma_wait3A_145] : memref<10000x128xf32, #tpu.memory_space<vmem_shared>> -> memref<10000x128xf32, #tpu.memory_space<vmem_shared>>
        tpu.wait_indirect_dma semaphore(%run_scoped3A_130 : memref<!tpu.dma_semaphore, #tpu.memory_space<semaphore_mem>>) src(%dma_wait3A_142 : memref<128x128xf32, #tpu.memory_space<vmem>>) dst(%dma_wait3A_146 : memref<10000x128xf32, #tpu.memory_space<vmem_shared>>)
        tpu.yield
      }) : () -> ()
      %add3A_123 = arith.constant 2 : i32
      %add3A_124 = arith.addi %add3A_108, %add3A_123 : i32
      %lt3A_125 = arith.constant 38 : i32
      %lt3A_126 = arith.cmpi slt, %add3A_124, %lt3A_125 : i32
      %convert_element_type3A_127 = arith.extui %lt3A_126 : i1 to i32
      %cond3A_128 = arith.constant 0 : i32
      %cond3A_129 = arith.cmpi ne, %convert_element_type3A_127, %cond3A_128 : i32
      scf.if %cond3A_129 {
        %add3A_130 = arith.constant 2 : i32
        %add3A_131 = arith.addi %add3A_108, %add3A_130 : i32
        %mul3A_132 = arith.constant 128 : i32
        %mul3A_133 = arith.muli %add3A_131, %mul3A_132 : i32
        %dma_start3A_134 = arith.constant 1 : i32
        %dma_start3A_135 = arith.constant 0 : i32
        %dma_start3A_136 = arith.constant 0 : i32
        %dma_start3A_137 = tpu.memref_slice %arg9[%dma_start3A_134, %dma_start3A_135, %dma_start3A_136] : memref<2x128x128xf32, #tpu.memory_space<vmem>> -> memref<1x128x128xf32, #tpu.memory_space<vmem>>
        %dma_start3A_138 = tpu.memref_squeeze %dma_start3A_137 : memref<1x128x128xf32, #tpu.memory_space<vmem>> -> memref<128x128xf32, #tpu.memory_space<vmem>>
        %dma_start3A_139 = tpu.memref_slice %arg5[%mul3A_133] : memref<5120xi32, #tpu.memory_space<vmem>> -> memref<128xi32, #tpu.memory_space<vmem>>
        %dma_start3A_140 = arith.constant 0 : i32
        %dma_start3A_141 = arith.constant 0 : i32
        %dma_start3A_142 = tpu.memref_slice %arg2[%dma_start3A_140, %dma_start3A_141] : memref<10000x128xf32, #tpu.memory_space<hbm>> -> memref<10000x128xf32, #tpu.memory_space<hbm>>
        tpu.enqueue_indirect_dma source(%dma_start3A_142 : memref<10000x128xf32, #tpu.memory_space<hbm>>) target(%dma_start3A_138 : memref<128x128xf32, #tpu.memory_space<vmem>>) offsets(%dma_start3A_139 : memref<128xi32, #tpu.memory_space<vmem>>) semaphore(%arg13 : memref<!tpu.dma_semaphore, #tpu.memory_space<semaphore_mem>>)
      } else {
      }
    }
    %scan3A_70 = arith.constant 19 : i32
    %dma_start3A_71 = arith.constant 0 : i32
    %dma_start3A_72 = arith.constant 0 : i32
    %dma_start3A_73 = tpu.memref_slice %arg2[%dma_start3A_71, %dma_start3A_72] : memref<10000x128xf32, #tpu.memory_space<hbm>> -> memref<10000x128xf32, #tpu.memory_space<hbm>>
    tpu.enqueue_indirect_dma source(%dma_start3A_73 : memref<10000x128xf32, #tpu.memory_space<hbm>>) target(%arg10 : memref<16x128xf32, #tpu.memory_space<vmem>>) offsets(%arg7 : memref<16xi32, #tpu.memory_space<vmem>>) semaphore(%arg12 : memref<!tpu.dma_semaphore, #tpu.memory_space<semaphore_mem>>)
    %dma_wait3A = arith.constant 0 : i32
    %dma_wait3A_74 = arith.constant 0 : i32
    %dma_wait3A_75 = tpu.memref_slice %arg2[%dma_wait3A, %dma_wait3A_74] : memref<10000x128xf32, #tpu.memory_space<hbm>> -> memref<10000x128xf32, #tpu.memory_space<hbm>>
    tpu.wait_indirect_dma semaphore(%arg12 : memref<!tpu.dma_semaphore, #tpu.memory_space<semaphore_mem>>) src(%dma_wait3A_75 : memref<10000x128xf32, #tpu.memory_space<hbm>>) dst(%arg10 : memref<16x128xf32, #tpu.memory_space<vmem>>)
    "tpu.region"() ({
      %run_scoped3A = tpu.sem_alloc : memref<!tpu.dma_semaphore, #tpu.memory_space<semaphore_mem>>
      %dma_start3A_82 = arith.constant 0 : i32
      %dma_start3A_83 = arith.constant 0 : i32
      %dma_start3A_84 = tpu.memref_slice %arg11[%dma_start3A_82, %dma_start3A_83] : memref<10000x128xf32, #tpu.memory_space<vmem_shared>> -> memref<10000x128xf32, #tpu.memory_space<vmem_shared>>
      tpu.enqueue_indirect_dma source(%arg10 : memref<16x128xf32, #tpu.memory_space<vmem>>) target(%dma_start3A_84 : memref<10000x128xf32, #tpu.memory_space<vmem_shared>>) offsets(%arg8 : memref<16xi32, #tpu.memory_space<vmem>>) semaphore(%run_scoped3A : memref<!tpu.dma_semaphore, #tpu.memory_space<semaphore_mem>>) {add = true}
      %dma_wait3A_85 = arith.constant 0 : i32
      %dma_wait3A_86 = arith.constant 0 : i32
      %dma_wait3A_87 = tpu.memref_slice %arg11[%dma_wait3A_85, %dma_wait3A_86] : memref<10000x128xf32, #tpu.memory_space<vmem_shared>> -> memref<10000x128xf32, #tpu.memory_space<vmem_shared>>
      tpu.wait_indirect_dma semaphore(%run_scoped3A : memref<!tpu.dma_semaphore, #tpu.memory_space<semaphore_mem>>) src(%arg10 : memref<16x128xf32, #tpu.memory_space<vmem>>) dst(%dma_wait3A_87 : memref<10000x128xf32, #tpu.memory_space<vmem_shared>>)
      tpu.yield
    }) : () -> ()
    %barrier3A_76 = arith.constant 0 : index
    tpu.barrier barrier_id(%barrier3A_76)
    %lt3A_77 = arith.constant 10 : i32
    %lt3A_78 = arith.cmpi slt, %arg1, %lt3A_77 : i32
    %convert_element_type3A_79 = arith.extui %lt3A_78 : i1 to i32
    %cond3A_80 = arith.constant 0 : i32
    %cond3A_81 = arith.cmpi ne, %convert_element_type3A_79, %cond3A_80 : i32
    scf.if %cond3A_81 {
      %mul3A_82 = arith.constant 10000 : i32
      %mul3A_83 = arith.muli %arg0, %mul3A_82 : i32
      %mul3A_84 = arith.constant 1000 : i32
      %mul3A_85 = arith.muli %arg1, %mul3A_84 : i32
      %add3A_86 = arith.addi %mul3A_83, %mul3A_85 : i32
      "tpu.region"() ({
        %run_scoped3A = tpu.sem_alloc : memref<!tpu.dma_semaphore, #tpu.memory_space<semaphore_mem>>
        %dma_start3A_87 = arith.constant 0 : i32
        %dma_start3A_88 = tpu.memref_slice %arg4[%add3A_86, %dma_start3A_87] : memref<20000x128xf32, #tpu.memory_space<hbm>> -> memref<1000x128xf32, #tpu.memory_space<hbm>>
        %dma_start3A_89 = arith.constant 0 : i32
        %dma_start3A_90 = tpu.memref_slice %arg11[%mul3A_2, %dma_start3A_89] : memref<10000x128xf32, #tpu.memory_space<vmem_shared>> -> memref<1000x128xf32, #tpu.memory_space<vmem_shared>>
        tpu.enqueue_dma source(%dma_start3A_90 : memref<1000x128xf32, #tpu.memory_space<vmem_shared>>) target(%dma_start3A_88 : memref<1000x128xf32, #tpu.memory_space<hbm>>) target_semaphore(%run_scoped3A : memref<!tpu.dma_semaphore, #tpu.memory_space<semaphore_mem>>)
        %dma_wait3A_91 = arith.constant 0 : i32
        %dma_wait3A_92 = tpu.memref_slice %arg4[%add3A_86, %dma_wait3A_91] : memref<20000x128xf32, #tpu.memory_space<hbm>> -> memref<1000x128xf32, #tpu.memory_space<hbm>>
        %dma_wait3A_93 = arith.constant 0 : i32
        %dma_wait3A_94 = tpu.memref_slice %arg11[%mul3A_2, %dma_wait3A_93] : memref<10000x128xf32, #tpu.memory_space<vmem_shared>> -> memref<1000x128xf32, #tpu.memory_space<vmem_shared>>
        tpu.wait_dma2 semaphore(%run_scoped3A : memref<!tpu.dma_semaphore, #tpu.memory_space<semaphore_mem>>) src(%dma_wait3A_94 : memref<1000x128xf32, #tpu.memory_space<vmem_shared>>) dst(%dma_wait3A_92 : memref<1000x128xf32, #tpu.memory_space<hbm>>)
        tpu.yield
      }) : () -> ()
    } else {
    }
    return
  }
}

#map = affine_map<(d0, d1) -> (0, 0)>
#map1 = affine_map<(d0, d1) -> (0)>
module attributes {stable_mosaic.version = 14 : i64} {
  func.func @body(%arg0: i32, %arg1: i32, %arg2: memref<10000x64xf32, #tpu.memory_space<hbm>>, %arg3: memref<640000xi32, #tpu.memory_space<hbm>>, %arg4: memref<20000x64xf32, #tpu.memory_space<hbm>>, %arg5: memref<9984xi32, #tpu.memory_space<vmem>>, %arg6: memref<9984xi32, #tpu.memory_space<vmem>>, %arg7: memref<16xi32, #tpu.memory_space<vmem>>, %arg8: memref<16xi32, #tpu.memory_space<vmem>>, %arg9: memref<3x128x64xf32, #tpu.memory_space<vmem>>, %arg10: memref<16x64xf32, #tpu.memory_space<vmem>>, %arg11: memref<10000x64xf32, #tpu.memory_space<vmem_shared>>, %arg12: memref<!tpu.dma_semaphore, #tpu.memory_space<semaphore_mem>>, %arg13: memref<!tpu.dma_semaphore, #tpu.memory_space<semaphore_mem>>, %arg14: memref<!tpu.dma_semaphore, #tpu.memory_space<semaphore_mem>>) attributes {dimension_semantics = [#tpu.dimension_semantics<core_parallel>, #tpu.dimension_semantics<subcore_parallel>], iteration_bounds = array<i64: 2, 16>, scalar_prefetch = 0 : i64, scratch_operands = 10 : i64, tpu.core_type = #tpu.core_type<sc_vector_subcore>, window_params = [{transform_indices = #map}, {transform_indices = #map1}, {transform_indices = #map}]} {
    %mul3A = arith.constant 2 : i32
    %mul3A_0 = arith.muli %arg1, %mul3A : i32
    %add3A = arith.addi %mul3A_0, %arg0 : i32
    %mul3A_1 = arith.constant 1000 : i32
    %mul3A_2 = arith.muli %arg1, %mul3A_1 : i32
    %mul3A_3 = arith.constant 10000 : i32
    %mul3A_4 = arith.muli %add3A, %mul3A_3 : i32
    %add3A_5 = arith.constant 0 : i32
    %add3A_6 = arith.addi %mul3A_4, %add3A_5 : i32
    "tpu.region"() ({
      %run_scoped3A = tpu.sem_alloc : memref<!tpu.dma_semaphore, #tpu.memory_space<semaphore_mem>>
      %dma_start3A_62 = arith.constant 0 : i32
      %dma_start3A_63 = tpu.memref_slice %arg5[%dma_start3A_62] : memref<9984xi32, #tpu.memory_space<vmem>> -> memref<9984xi32, #tpu.memory_space<vmem>>
      %dma_start3A_64 = tpu.memref_slice %arg3[%add3A_6] : memref<640000xi32, #tpu.memory_space<hbm>> -> memref<9984xi32, #tpu.memory_space<hbm>>
      %dma_start3A_65 = arith.constant 0 : i32
      %dma_start3A_66 = tpu.memref_slice %arg5[%dma_start3A_65] : memref<9984xi32, #tpu.memory_space<vmem>> -> memref<9984xi32, #tpu.memory_space<vmem>>
      %dma_start3A_67 = tpu.memref_slice %arg3[%add3A_6] : memref<640000xi32, #tpu.memory_space<hbm>> -> memref<9984xi32, #tpu.memory_space<hbm>>
      tpu.enqueue_dma source(%dma_start3A_67 : memref<9984xi32, #tpu.memory_space<hbm>>) target(%dma_start3A_66 : memref<9984xi32, #tpu.memory_space<vmem>>) target_semaphore(%run_scoped3A : memref<!tpu.dma_semaphore, #tpu.memory_space<semaphore_mem>>)
      %dma_wait3A_68 = arith.constant 0 : i32
      %dma_wait3A_69 = tpu.memref_slice %arg5[%dma_wait3A_68] : memref<9984xi32, #tpu.memory_space<vmem>> -> memref<9984xi32, #tpu.memory_space<vmem>>
      %dma_wait3A_70 = tpu.memref_slice %arg3[%add3A_6] : memref<640000xi32, #tpu.memory_space<hbm>> -> memref<9984xi32, #tpu.memory_space<hbm>>
      %dma_wait3A_71 = arith.constant 0 : i32
      %dma_wait3A_72 = tpu.memref_slice %arg5[%dma_wait3A_71] : memref<9984xi32, #tpu.memory_space<vmem>> -> memref<9984xi32, #tpu.memory_space<vmem>>
      %dma_wait3A_73 = tpu.memref_slice %arg3[%add3A_6] : memref<640000xi32, #tpu.memory_space<hbm>> -> memref<9984xi32, #tpu.memory_space<hbm>>
      tpu.wait_dma2 semaphore(%run_scoped3A : memref<!tpu.dma_semaphore, #tpu.memory_space<semaphore_mem>>) src(%dma_wait3A_73 : memref<9984xi32, #tpu.memory_space<hbm>>) dst(%dma_wait3A_72 : memref<9984xi32, #tpu.memory_space<vmem>>)
      tpu.yield
    }) : () -> ()
    %add3A_7 = arith.constant 320000 : i32
    %add3A_8 = arith.addi %add3A_7, %add3A_6 : i32
    "tpu.region"() ({
      %run_scoped3A = tpu.sem_alloc : memref<!tpu.dma_semaphore, #tpu.memory_space<semaphore_mem>>
      %dma_start3A_62 = arith.constant 0 : i32
      %dma_start3A_63 = tpu.memref_slice %arg6[%dma_start3A_62] : memref<9984xi32, #tpu.memory_space<vmem>> -> memref<9984xi32, #tpu.memory_space<vmem>>
      %dma_start3A_64 = tpu.memref_slice %arg3[%add3A_8] : memref<640000xi32, #tpu.memory_space<hbm>> -> memref<9984xi32, #tpu.memory_space<hbm>>
      %dma_start3A_65 = arith.constant 0 : i32
      %dma_start3A_66 = tpu.memref_slice %arg6[%dma_start3A_65] : memref<9984xi32, #tpu.memory_space<vmem>> -> memref<9984xi32, #tpu.memory_space<vmem>>
      %dma_start3A_67 = tpu.memref_slice %arg3[%add3A_8] : memref<640000xi32, #tpu.memory_space<hbm>> -> memref<9984xi32, #tpu.memory_space<hbm>>
      tpu.enqueue_dma source(%dma_start3A_67 : memref<9984xi32, #tpu.memory_space<hbm>>) target(%dma_start3A_66 : memref<9984xi32, #tpu.memory_space<vmem>>) target_semaphore(%run_scoped3A : memref<!tpu.dma_semaphore, #tpu.memory_space<semaphore_mem>>)
      %dma_wait3A_68 = arith.constant 0 : i32
      %dma_wait3A_69 = tpu.memref_slice %arg6[%dma_wait3A_68] : memref<9984xi32, #tpu.memory_space<vmem>> -> memref<9984xi32, #tpu.memory_space<vmem>>
      %dma_wait3A_70 = tpu.memref_slice %arg3[%add3A_8] : memref<640000xi32, #tpu.memory_space<hbm>> -> memref<9984xi32, #tpu.memory_space<hbm>>
      %dma_wait3A_71 = arith.constant 0 : i32
      %dma_wait3A_72 = tpu.memref_slice %arg6[%dma_wait3A_71] : memref<9984xi32, #tpu.memory_space<vmem>> -> memref<9984xi32, #tpu.memory_space<vmem>>
      %dma_wait3A_73 = tpu.memref_slice %arg3[%add3A_8] : memref<640000xi32, #tpu.memory_space<hbm>> -> memref<9984xi32, #tpu.memory_space<hbm>>
      tpu.wait_dma2 semaphore(%run_scoped3A : memref<!tpu.dma_semaphore, #tpu.memory_space<semaphore_mem>>) src(%dma_wait3A_73 : memref<9984xi32, #tpu.memory_space<hbm>>) dst(%dma_wait3A_72 : memref<9984xi32, #tpu.memory_space<vmem>>)
      tpu.yield
    }) : () -> ()
    %dma_start3A = arith.constant 0 : i32
    %dma_start3A_9 = arith.constant 0 : i32
    %dma_start3A_10 = arith.constant 0 : i32
    %dma_start3A_11 = tpu.memref_slice %arg9[%dma_start3A, %dma_start3A_9, %dma_start3A_10] : memref<3x128x64xf32, #tpu.memory_space<vmem>> -> memref<1x128x64xf32, #tpu.memory_space<vmem>>
    %dma_start3A_12 = tpu.memref_squeeze %dma_start3A_11 : memref<1x128x64xf32, #tpu.memory_space<vmem>> -> memref<128x64xf32, #tpu.memory_space<vmem>>
    %dma_start3A_13 = arith.constant 0 : i32
    %dma_start3A_14 = tpu.memref_slice %arg5[%dma_start3A_13] : memref<9984xi32, #tpu.memory_space<vmem>> -> memref<128xi32, #tpu.memory_space<vmem>>
    %dma_start3A_15 = arith.constant 0 : i32
    %dma_start3A_16 = arith.constant 0 : i32
    %dma_start3A_17 = tpu.memref_slice %arg2[%dma_start3A_15, %dma_start3A_16] : memref<10000x64xf32, #tpu.memory_space<hbm>> -> memref<10000x64xf32, #tpu.memory_space<hbm>>
    tpu.enqueue_indirect_dma source(%dma_start3A_17 : memref<10000x64xf32, #tpu.memory_space<hbm>>) target(%dma_start3A_12 : memref<128x64xf32, #tpu.memory_space<vmem>>) offsets(%dma_start3A_14 : memref<128xi32, #tpu.memory_space<vmem>>) semaphore(%arg12 : memref<!tpu.dma_semaphore, #tpu.memory_space<semaphore_mem>>)
    %dma_start3A_18 = arith.constant 1 : i32
    %dma_start3A_19 = arith.constant 0 : i32
    %dma_start3A_20 = arith.constant 0 : i32
    %dma_start3A_21 = tpu.memref_slice %arg9[%dma_start3A_18, %dma_start3A_19, %dma_start3A_20] : memref<3x128x64xf32, #tpu.memory_space<vmem>> -> memref<1x128x64xf32, #tpu.memory_space<vmem>>
    %dma_start3A_22 = tpu.memref_squeeze %dma_start3A_21 : memref<1x128x64xf32, #tpu.memory_space<vmem>> -> memref<128x64xf32, #tpu.memory_space<vmem>>
    %dma_start3A_23 = arith.constant 128 : i32
    %dma_start3A_24 = tpu.memref_slice %arg5[%dma_start3A_23] : memref<9984xi32, #tpu.memory_space<vmem>> -> memref<128xi32, #tpu.memory_space<vmem>>
    %dma_start3A_25 = arith.constant 0 : i32
    %dma_start3A_26 = arith.constant 0 : i32
    %dma_start3A_27 = tpu.memref_slice %arg2[%dma_start3A_25, %dma_start3A_26] : memref<10000x64xf32, #tpu.memory_space<hbm>> -> memref<10000x64xf32, #tpu.memory_space<hbm>>
    tpu.enqueue_indirect_dma source(%dma_start3A_27 : memref<10000x64xf32, #tpu.memory_space<hbm>>) target(%dma_start3A_22 : memref<128x64xf32, #tpu.memory_space<vmem>>) offsets(%dma_start3A_24 : memref<128xi32, #tpu.memory_space<vmem>>) semaphore(%arg13 : memref<!tpu.dma_semaphore, #tpu.memory_space<semaphore_mem>>)
    %dma_start3A_28 = arith.constant 2 : i32
    %dma_start3A_29 = arith.constant 0 : i32
    %dma_start3A_30 = arith.constant 0 : i32
    %dma_start3A_31 = tpu.memref_slice %arg9[%dma_start3A_28, %dma_start3A_29, %dma_start3A_30] : memref<3x128x64xf32, #tpu.memory_space<vmem>> -> memref<1x128x64xf32, #tpu.memory_space<vmem>>
    %dma_start3A_32 = tpu.memref_squeeze %dma_start3A_31 : memref<1x128x64xf32, #tpu.memory_space<vmem>> -> memref<128x64xf32, #tpu.memory_space<vmem>>
    %dma_start3A_33 = arith.constant 256 : i32
    %dma_start3A_34 = tpu.memref_slice %arg5[%dma_start3A_33] : memref<9984xi32, #tpu.memory_space<vmem>> -> memref<128xi32, #tpu.memory_space<vmem>>
    %dma_start3A_35 = arith.constant 0 : i32
    %dma_start3A_36 = arith.constant 0 : i32
    %dma_start3A_37 = tpu.memref_slice %arg2[%dma_start3A_35, %dma_start3A_36] : memref<10000x64xf32, #tpu.memory_space<hbm>> -> memref<10000x64xf32, #tpu.memory_space<hbm>>
    tpu.enqueue_indirect_dma source(%dma_start3A_37 : memref<10000x64xf32, #tpu.memory_space<hbm>>) target(%dma_start3A_32 : memref<128x64xf32, #tpu.memory_space<vmem>>) offsets(%dma_start3A_34 : memref<128xi32, #tpu.memory_space<vmem>>) semaphore(%arg14 : memref<!tpu.dma_semaphore, #tpu.memory_space<semaphore_mem>>)
    %add3A_38 = arith.constant 9984 : i32
    %add3A_39 = arith.addi %mul3A_4, %add3A_38 : i32
    "tpu.region"() ({
      %run_scoped3A = tpu.sem_alloc : memref<!tpu.dma_semaphore, #tpu.memory_space<semaphore_mem>>
      %dma_start3A_62 = tpu.memref_slice %arg3[%add3A_39] : memref<640000xi32, #tpu.memory_space<hbm>> -> memref<16xi32, #tpu.memory_space<hbm>>
      %dma_start3A_63 = tpu.memref_slice %arg3[%add3A_39] : memref<640000xi32, #tpu.memory_space<hbm>> -> memref<16xi32, #tpu.memory_space<hbm>>
      tpu.enqueue_dma source(%dma_start3A_63 : memref<16xi32, #tpu.memory_space<hbm>>) target(%arg7 : memref<16xi32, #tpu.memory_space<vmem>>) target_semaphore(%run_scoped3A : memref<!tpu.dma_semaphore, #tpu.memory_space<semaphore_mem>>)
      %dma_wait3A_64 = tpu.memref_slice %arg3[%add3A_39] : memref<640000xi32, #tpu.memory_space<hbm>> -> memref<16xi32, #tpu.memory_space<hbm>>
      %dma_wait3A_65 = tpu.memref_slice %arg3[%add3A_39] : memref<640000xi32, #tpu.memory_space<hbm>> -> memref<16xi32, #tpu.memory_space<hbm>>
      tpu.wait_dma2 semaphore(%run_scoped3A : memref<!tpu.dma_semaphore, #tpu.memory_space<semaphore_mem>>) src(%dma_wait3A_65 : memref<16xi32, #tpu.memory_space<hbm>>) dst(%arg7 : memref<16xi32, #tpu.memory_space<vmem>>)
      tpu.yield
    }) : () -> ()
    %add3A_40 = arith.constant 320000 : i32
    %add3A_41 = arith.addi %add3A_40, %mul3A_4 : i32
    %add3A_42 = arith.constant 9984 : i32
    %add3A_43 = arith.addi %add3A_41, %add3A_42 : i32
    "tpu.region"() ({
      %run_scoped3A = tpu.sem_alloc : memref<!tpu.dma_semaphore, #tpu.memory_space<semaphore_mem>>
      %dma_start3A_62 = tpu.memref_slice %arg3[%add3A_43] : memref<640000xi32, #tpu.memory_space<hbm>> -> memref<16xi32, #tpu.memory_space<hbm>>
      %dma_start3A_63 = tpu.memref_slice %arg3[%add3A_43] : memref<640000xi32, #tpu.memory_space<hbm>> -> memref<16xi32, #tpu.memory_space<hbm>>
      tpu.enqueue_dma source(%dma_start3A_63 : memref<16xi32, #tpu.memory_space<hbm>>) target(%arg8 : memref<16xi32, #tpu.memory_space<vmem>>) target_semaphore(%run_scoped3A : memref<!tpu.dma_semaphore, #tpu.memory_space<semaphore_mem>>)
      %dma_wait3A_64 = tpu.memref_slice %arg3[%add3A_43] : memref<640000xi32, #tpu.memory_space<hbm>> -> memref<16xi32, #tpu.memory_space<hbm>>
      %dma_wait3A_65 = tpu.memref_slice %arg3[%add3A_43] : memref<640000xi32, #tpu.memory_space<hbm>> -> memref<16xi32, #tpu.memory_space<hbm>>
      tpu.wait_dma2 semaphore(%run_scoped3A : memref<!tpu.dma_semaphore, #tpu.memory_space<semaphore_mem>>) src(%dma_wait3A_65 : memref<16xi32, #tpu.memory_space<hbm>>) dst(%arg8 : memref<16xi32, #tpu.memory_space<vmem>>)
      tpu.yield
    }) : () -> ()
    %lt3A = arith.constant 10 : i32
    %lt3A_44 = arith.cmpi slt, %arg1, %lt3A : i32
    %convert_element_type3A = arith.extui %lt3A_44 : i1 to i32
    %cond3A = arith.constant 0 : i32
    %cond3A_45 = arith.cmpi ne, %convert_element_type3A, %cond3A : i32
    scf.if %cond3A_45 {
      "tpu.region"() ({
        %run_scoped3A = tpu.sem_alloc : memref<!tpu.dma_semaphore, #tpu.memory_space<semaphore_mem>>
        %dma_start3A_62 = arith.constant 0 : i32
        %dma_start3A_63 = tpu.memref_slice %arg11[%mul3A_2, %dma_start3A_62] : memref<10000x64xf32, #tpu.memory_space<vmem_shared>> -> memref<1000x64xf32, #tpu.memory_space<vmem_shared>>
        %dma_start3A_64 = arith.constant 0 : i32
        %dma_start3A_65 = tpu.memref_slice %arg2[%mul3A_2, %dma_start3A_64] : memref<10000x64xf32, #tpu.memory_space<hbm>> -> memref<1000x64xf32, #tpu.memory_space<hbm>>
        tpu.enqueue_dma source(%dma_start3A_65 : memref<1000x64xf32, #tpu.memory_space<hbm>>) target(%dma_start3A_63 : memref<1000x64xf32, #tpu.memory_space<vmem_shared>>) target_semaphore(%run_scoped3A : memref<!tpu.dma_semaphore, #tpu.memory_space<semaphore_mem>>)
        %dma_wait3A_66 = arith.constant 0 : i32
        %dma_wait3A_67 = tpu.memref_slice %arg11[%mul3A_2, %dma_wait3A_66] : memref<10000x64xf32, #tpu.memory_space<vmem_shared>> -> memref<1000x64xf32, #tpu.memory_space<vmem_shared>>
        %dma_wait3A_68 = arith.constant 0 : i32
        %dma_wait3A_69 = tpu.memref_slice %arg2[%mul3A_2, %dma_wait3A_68] : memref<10000x64xf32, #tpu.memory_space<hbm>> -> memref<1000x64xf32, #tpu.memory_space<hbm>>
        tpu.wait_dma2 semaphore(%run_scoped3A : memref<!tpu.dma_semaphore, #tpu.memory_space<semaphore_mem>>) src(%dma_wait3A_69 : memref<1000x64xf32, #tpu.memory_space<hbm>>) dst(%dma_wait3A_67 : memref<1000x64xf32, #tpu.memory_space<vmem_shared>>)
        tpu.yield
      }) : () -> ()
    } else {
    }
    %barrier3A = arith.constant 0 : index
    tpu.barrier barrier_id(%barrier3A)
    %scan3A = arith.constant 0 : i32
    %scan3A_46 = arith.constant 0 : i32
    %scan3A_47 = arith.constant 26 : i32
    %scan3A_48 = arith.addi %scan3A_46, %scan3A_47 : i32
    %scan3A_49 = arith.constant 1 : i32
    scf.for %scan3A_62 = %scan3A_46 to %scan3A_48 step %scan3A_49  : i32 {
      %mul3A_63 = arith.constant 3 : i32
      %mul3A_64 = arith.muli %mul3A_63, %scan3A_62 : i32
      %add3A_65 = arith.constant 0 : i32
      %add3A_66 = arith.addi %mul3A_64, %add3A_65 : i32
      %mul3A_67 = arith.constant 128 : i32
      %mul3A_68 = arith.muli %add3A_66, %mul3A_67 : i32
      %dma_wait3A_69 = arith.constant 0 : i32
      %dma_wait3A_70 = arith.constant 0 : i32
      %dma_wait3A_71 = arith.constant 0 : i32
      %dma_wait3A_72 = tpu.memref_slice %arg9[%dma_wait3A_69, %dma_wait3A_70, %dma_wait3A_71] : memref<3x128x64xf32, #tpu.memory_space<vmem>> -> memref<1x128x64xf32, #tpu.memory_space<vmem>>
      %dma_wait3A_73 = tpu.memref_squeeze %dma_wait3A_72 : memref<1x128x64xf32, #tpu.memory_space<vmem>> -> memref<128x64xf32, #tpu.memory_space<vmem>>
      %dma_wait3A_74 = tpu.memref_slice %arg5[%mul3A_68] : memref<9984xi32, #tpu.memory_space<vmem>> -> memref<128xi32, #tpu.memory_space<vmem>>
      %dma_wait3A_75 = arith.constant 0 : i32
      %dma_wait3A_76 = arith.constant 0 : i32
      %dma_wait3A_77 = tpu.memref_slice %arg2[%dma_wait3A_75, %dma_wait3A_76] : memref<10000x64xf32, #tpu.memory_space<hbm>> -> memref<10000x64xf32, #tpu.memory_space<hbm>>
      tpu.wait_indirect_dma semaphore(%arg12 : memref<!tpu.dma_semaphore, #tpu.memory_space<semaphore_mem>>) src(%dma_wait3A_77 : memref<10000x64xf32, #tpu.memory_space<hbm>>) dst(%dma_wait3A_73 : memref<128x64xf32, #tpu.memory_space<vmem>>)
      %mul3A_78 = arith.constant 128 : i32
      %mul3A_79 = arith.muli %add3A_66, %mul3A_78 : i32
      %run_scoped3A = arith.constant 0 : i32
      "tpu.region"() ({
        %run_scoped3A_133 = tpu.sem_alloc : memref<!tpu.dma_semaphore, #tpu.memory_space<semaphore_mem>>
        %dma_start3A_134 = arith.constant 0 : i32
        %dma_start3A_135 = arith.constant 0 : i32
        %dma_start3A_136 = tpu.memref_slice %arg9[%run_scoped3A, %dma_start3A_134, %dma_start3A_135] : memref<3x128x64xf32, #tpu.memory_space<vmem>> -> memref<1x128x64xf32, #tpu.memory_space<vmem>>
        %dma_start3A_137 = tpu.memref_squeeze %dma_start3A_136 : memref<1x128x64xf32, #tpu.memory_space<vmem>> -> memref<128x64xf32, #tpu.memory_space<vmem>>
        %dma_start3A_138 = tpu.memref_slice %arg6[%mul3A_79] : memref<9984xi32, #tpu.memory_space<vmem>> -> memref<128xi32, #tpu.memory_space<vmem>>
        %dma_start3A_139 = arith.constant 0 : i32
        %dma_start3A_140 = arith.constant 0 : i32
        %dma_start3A_141 = tpu.memref_slice %arg11[%dma_start3A_139, %dma_start3A_140] : memref<10000x64xf32, #tpu.memory_space<vmem_shared>> -> memref<10000x64xf32, #tpu.memory_space<vmem_shared>>
        tpu.enqueue_indirect_dma source(%dma_start3A_137 : memref<128x64xf32, #tpu.memory_space<vmem>>) target(%dma_start3A_141 : memref<10000x64xf32, #tpu.memory_space<vmem_shared>>) offsets(%dma_start3A_138 : memref<128xi32, #tpu.memory_space<vmem>>) semaphore(%run_scoped3A_133 : memref<!tpu.dma_semaphore, #tpu.memory_space<semaphore_mem>>) {add = true}
        %dma_wait3A_142 = arith.constant 0 : i32
        %dma_wait3A_143 = arith.constant 0 : i32
        %dma_wait3A_144 = tpu.memref_slice %arg9[%run_scoped3A, %dma_wait3A_142, %dma_wait3A_143] : memref<3x128x64xf32, #tpu.memory_space<vmem>> -> memref<1x128x64xf32, #tpu.memory_space<vmem>>
        %dma_wait3A_145 = tpu.memref_squeeze %dma_wait3A_144 : memref<1x128x64xf32, #tpu.memory_space<vmem>> -> memref<128x64xf32, #tpu.memory_space<vmem>>
        %dma_wait3A_146 = tpu.memref_slice %arg6[%mul3A_79] : memref<9984xi32, #tpu.memory_space<vmem>> -> memref<128xi32, #tpu.memory_space<vmem>>
        %dma_wait3A_147 = arith.constant 0 : i32
        %dma_wait3A_148 = arith.constant 0 : i32
        %dma_wait3A_149 = tpu.memref_slice %arg11[%dma_wait3A_147, %dma_wait3A_148] : memref<10000x64xf32, #tpu.memory_space<vmem_shared>> -> memref<10000x64xf32, #tpu.memory_space<vmem_shared>>
        tpu.wait_indirect_dma semaphore(%run_scoped3A_133 : memref<!tpu.dma_semaphore, #tpu.memory_space<semaphore_mem>>) src(%dma_wait3A_145 : memref<128x64xf32, #tpu.memory_space<vmem>>) dst(%dma_wait3A_149 : memref<10000x64xf32, #tpu.memory_space<vmem_shared>>)
        tpu.yield
      }) : () -> ()
      %add3A_80 = arith.constant 3 : i32
      %add3A_81 = arith.addi %add3A_66, %add3A_80 : i32
      %lt3A_82 = arith.constant 78 : i32
      %lt3A_83 = arith.cmpi slt, %add3A_81, %lt3A_82 : i32
      %convert_element_type3A_84 = arith.extui %lt3A_83 : i1 to i32
      %cond3A_85 = arith.constant 0 : i32
      %cond3A_86 = arith.cmpi ne, %convert_element_type3A_84, %cond3A_85 : i32
      scf.if %cond3A_86 {
        %add3A_133 = arith.constant 3 : i32
        %add3A_134 = arith.addi %add3A_66, %add3A_133 : i32
        %mul3A_135 = arith.constant 128 : i32
        %mul3A_136 = arith.muli %add3A_134, %mul3A_135 : i32
        %dma_start3A_137 = arith.constant 0 : i32
        %dma_start3A_138 = arith.constant 0 : i32
        %dma_start3A_139 = arith.constant 0 : i32
        %dma_start3A_140 = tpu.memref_slice %arg9[%dma_start3A_137, %dma_start3A_138, %dma_start3A_139] : memref<3x128x64xf32, #tpu.memory_space<vmem>> -> memref<1x128x64xf32, #tpu.memory_space<vmem>>
        %dma_start3A_141 = tpu.memref_squeeze %dma_start3A_140 : memref<1x128x64xf32, #tpu.memory_space<vmem>> -> memref<128x64xf32, #tpu.memory_space<vmem>>
        %dma_start3A_142 = tpu.memref_slice %arg5[%mul3A_136] : memref<9984xi32, #tpu.memory_space<vmem>> -> memref<128xi32, #tpu.memory_space<vmem>>
        %dma_start3A_143 = arith.constant 0 : i32
        %dma_start3A_144 = arith.constant 0 : i32
        %dma_start3A_145 = tpu.memref_slice %arg2[%dma_start3A_143, %dma_start3A_144] : memref<10000x64xf32, #tpu.memory_space<hbm>> -> memref<10000x64xf32, #tpu.memory_space<hbm>>
        tpu.enqueue_indirect_dma source(%dma_start3A_145 : memref<10000x64xf32, #tpu.memory_space<hbm>>) target(%dma_start3A_141 : memref<128x64xf32, #tpu.memory_space<vmem>>) offsets(%dma_start3A_142 : memref<128xi32, #tpu.memory_space<vmem>>) semaphore(%arg12 : memref<!tpu.dma_semaphore, #tpu.memory_space<semaphore_mem>>)
      } else {
      }
      %add3A_87 = arith.constant 1 : i32
      %add3A_88 = arith.addi %mul3A_64, %add3A_87 : i32
      %mul3A_89 = arith.constant 128 : i32
      %mul3A_90 = arith.muli %add3A_88, %mul3A_89 : i32
      %dma_wait3A_91 = arith.constant 1 : i32
      %dma_wait3A_92 = arith.constant 0 : i32
      %dma_wait3A_93 = arith.constant 0 : i32
      %dma_wait3A_94 = tpu.memref_slice %arg9[%dma_wait3A_91, %dma_wait3A_92, %dma_wait3A_93] : memref<3x128x64xf32, #tpu.memory_space<vmem>> -> memref<1x128x64xf32, #tpu.memory_space<vmem>>
      %dma_wait3A_95 = tpu.memref_squeeze %dma_wait3A_94 : memref<1x128x64xf32, #tpu.memory_space<vmem>> -> memref<128x64xf32, #tpu.memory_space<vmem>>
      %dma_wait3A_96 = tpu.memref_slice %arg5[%mul3A_90] : memref<9984xi32, #tpu.memory_space<vmem>> -> memref<128xi32, #tpu.memory_space<vmem>>
      %dma_wait3A_97 = arith.constant 0 : i32
      %dma_wait3A_98 = arith.constant 0 : i32
      %dma_wait3A_99 = tpu.memref_slice %arg2[%dma_wait3A_97, %dma_wait3A_98] : memref<10000x64xf32, #tpu.memory_space<hbm>> -> memref<10000x64xf32, #tpu.memory_space<hbm>>
      tpu.wait_indirect_dma semaphore(%arg13 : memref<!tpu.dma_semaphore, #tpu.memory_space<semaphore_mem>>) src(%dma_wait3A_99 : memref<10000x64xf32, #tpu.memory_space<hbm>>) dst(%dma_wait3A_95 : memref<128x64xf32, #tpu.memory_space<vmem>>)
      %mul3A_100 = arith.constant 128 : i32
      %mul3A_101 = arith.muli %add3A_88, %mul3A_100 : i32
      %run_scoped3A_102 = arith.constant 1 : i32
      "tpu.region"() ({
        %run_scoped3A_133 = tpu.sem_alloc : memref<!tpu.dma_semaphore, #tpu.memory_space<semaphore_mem>>
        %dma_start3A_134 = arith.constant 0 : i32
        %dma_start3A_135 = arith.constant 0 : i32
        %dma_start3A_136 = tpu.memref_slice %arg9[%run_scoped3A_102, %dma_start3A_134, %dma_start3A_135] : memref<3x128x64xf32, #tpu.memory_space<vmem>> -> memref<1x128x64xf32, #tpu.memory_space<vmem>>
        %dma_start3A_137 = tpu.memref_squeeze %dma_start3A_136 : memref<1x128x64xf32, #tpu.memory_space<vmem>> -> memref<128x64xf32, #tpu.memory_space<vmem>>
        %dma_start3A_138 = tpu.memref_slice %arg6[%mul3A_101] : memref<9984xi32, #tpu.memory_space<vmem>> -> memref<128xi32, #tpu.memory_space<vmem>>
        %dma_start3A_139 = arith.constant 0 : i32
        %dma_start3A_140 = arith.constant 0 : i32
        %dma_start3A_141 = tpu.memref_slice %arg11[%dma_start3A_139, %dma_start3A_140] : memref<10000x64xf32, #tpu.memory_space<vmem_shared>> -> memref<10000x64xf32, #tpu.memory_space<vmem_shared>>
        tpu.enqueue_indirect_dma source(%dma_start3A_137 : memref<128x64xf32, #tpu.memory_space<vmem>>) target(%dma_start3A_141 : memref<10000x64xf32, #tpu.memory_space<vmem_shared>>) offsets(%dma_start3A_138 : memref<128xi32, #tpu.memory_space<vmem>>) semaphore(%run_scoped3A_133 : memref<!tpu.dma_semaphore, #tpu.memory_space<semaphore_mem>>) {add = true}
        %dma_wait3A_142 = arith.constant 0 : i32
        %dma_wait3A_143 = arith.constant 0 : i32
        %dma_wait3A_144 = tpu.memref_slice %arg9[%run_scoped3A_102, %dma_wait3A_142, %dma_wait3A_143] : memref<3x128x64xf32, #tpu.memory_space<vmem>> -> memref<1x128x64xf32, #tpu.memory_space<vmem>>
        %dma_wait3A_145 = tpu.memref_squeeze %dma_wait3A_144 : memref<1x128x64xf32, #tpu.memory_space<vmem>> -> memref<128x64xf32, #tpu.memory_space<vmem>>
        %dma_wait3A_146 = tpu.memref_slice %arg6[%mul3A_101] : memref<9984xi32, #tpu.memory_space<vmem>> -> memref<128xi32, #tpu.memory_space<vmem>>
        %dma_wait3A_147 = arith.constant 0 : i32
        %dma_wait3A_148 = arith.constant 0 : i32
        %dma_wait3A_149 = tpu.memref_slice %arg11[%dma_wait3A_147, %dma_wait3A_148] : memref<10000x64xf32, #tpu.memory_space<vmem_shared>> -> memref<10000x64xf32, #tpu.memory_space<vmem_shared>>
        tpu.wait_indirect_dma semaphore(%run_scoped3A_133 : memref<!tpu.dma_semaphore, #tpu.memory_space<semaphore_mem>>) src(%dma_wait3A_145 : memref<128x64xf32, #tpu.memory_space<vmem>>) dst(%dma_wait3A_149 : memref<10000x64xf32, #tpu.memory_space<vmem_shared>>)
        tpu.yield
      }) : () -> ()
      %add3A_103 = arith.constant 3 : i32
      %add3A_104 = arith.addi %add3A_88, %add3A_103 : i32
      %lt3A_105 = arith.constant 78 : i32
      %lt3A_106 = arith.cmpi slt, %add3A_104, %lt3A_105 : i32
      %convert_element_type3A_107 = arith.extui %lt3A_106 : i1 to i32
      %cond3A_108 = arith.constant 0 : i32
      %cond3A_109 = arith.cmpi ne, %convert_element_type3A_107, %cond3A_108 : i32
      scf.if %cond3A_109 {
        %add3A_133 = arith.constant 3 : i32
        %add3A_134 = arith.addi %add3A_88, %add3A_133 : i32
        %mul3A_135 = arith.constant 128 : i32
        %mul3A_136 = arith.muli %add3A_134, %mul3A_135 : i32
        %dma_start3A_137 = arith.constant 1 : i32
        %dma_start3A_138 = arith.constant 0 : i32
        %dma_start3A_139 = arith.constant 0 : i32
        %dma_start3A_140 = tpu.memref_slice %arg9[%dma_start3A_137, %dma_start3A_138, %dma_start3A_139] : memref<3x128x64xf32, #tpu.memory_space<vmem>> -> memref<1x128x64xf32, #tpu.memory_space<vmem>>
        %dma_start3A_141 = tpu.memref_squeeze %dma_start3A_140 : memref<1x128x64xf32, #tpu.memory_space<vmem>> -> memref<128x64xf32, #tpu.memory_space<vmem>>
        %dma_start3A_142 = tpu.memref_slice %arg5[%mul3A_136] : memref<9984xi32, #tpu.memory_space<vmem>> -> memref<128xi32, #tpu.memory_space<vmem>>
        %dma_start3A_143 = arith.constant 0 : i32
        %dma_start3A_144 = arith.constant 0 : i32
        %dma_start3A_145 = tpu.memref_slice %arg2[%dma_start3A_143, %dma_start3A_144] : memref<10000x64xf32, #tpu.memory_space<hbm>> -> memref<10000x64xf32, #tpu.memory_space<hbm>>
        tpu.enqueue_indirect_dma source(%dma_start3A_145 : memref<10000x64xf32, #tpu.memory_space<hbm>>) target(%dma_start3A_141 : memref<128x64xf32, #tpu.memory_space<vmem>>) offsets(%dma_start3A_142 : memref<128xi32, #tpu.memory_space<vmem>>) semaphore(%arg13 : memref<!tpu.dma_semaphore, #tpu.memory_space<semaphore_mem>>)
      } else {
      }
      %add3A_110 = arith.constant 2 : i32
      %add3A_111 = arith.addi %mul3A_64, %add3A_110 : i32
      %mul3A_112 = arith.constant 128 : i32
      %mul3A_113 = arith.muli %add3A_111, %mul3A_112 : i32
      %dma_wait3A_114 = arith.constant 2 : i32
      %dma_wait3A_115 = arith.constant 0 : i32
      %dma_wait3A_116 = arith.constant 0 : i32
      %dma_wait3A_117 = tpu.memref_slice %arg9[%dma_wait3A_114, %dma_wait3A_115, %dma_wait3A_116] : memref<3x128x64xf32, #tpu.memory_space<vmem>> -> memref<1x128x64xf32, #tpu.memory_space<vmem>>
      %dma_wait3A_118 = tpu.memref_squeeze %dma_wait3A_117 : memref<1x128x64xf32, #tpu.memory_space<vmem>> -> memref<128x64xf32, #tpu.memory_space<vmem>>
      %dma_wait3A_119 = tpu.memref_slice %arg5[%mul3A_113] : memref<9984xi32, #tpu.memory_space<vmem>> -> memref<128xi32, #tpu.memory_space<vmem>>
      %dma_wait3A_120 = arith.constant 0 : i32
      %dma_wait3A_121 = arith.constant 0 : i32
      %dma_wait3A_122 = tpu.memref_slice %arg2[%dma_wait3A_120, %dma_wait3A_121] : memref<10000x64xf32, #tpu.memory_space<hbm>> -> memref<10000x64xf32, #tpu.memory_space<hbm>>
      tpu.wait_indirect_dma semaphore(%arg14 : memref<!tpu.dma_semaphore, #tpu.memory_space<semaphore_mem>>) src(%dma_wait3A_122 : memref<10000x64xf32, #tpu.memory_space<hbm>>) dst(%dma_wait3A_118 : memref<128x64xf32, #tpu.memory_space<vmem>>)
      %mul3A_123 = arith.constant 128 : i32
      %mul3A_124 = arith.muli %add3A_111, %mul3A_123 : i32
      %run_scoped3A_125 = arith.constant 2 : i32
      "tpu.region"() ({
        %run_scoped3A_133 = tpu.sem_alloc : memref<!tpu.dma_semaphore, #tpu.memory_space<semaphore_mem>>
        %dma_start3A_134 = arith.constant 0 : i32
        %dma_start3A_135 = arith.constant 0 : i32
        %dma_start3A_136 = tpu.memref_slice %arg9[%run_scoped3A_125, %dma_start3A_134, %dma_start3A_135] : memref<3x128x64xf32, #tpu.memory_space<vmem>> -> memref<1x128x64xf32, #tpu.memory_space<vmem>>
        %dma_start3A_137 = tpu.memref_squeeze %dma_start3A_136 : memref<1x128x64xf32, #tpu.memory_space<vmem>> -> memref<128x64xf32, #tpu.memory_space<vmem>>
        %dma_start3A_138 = tpu.memref_slice %arg6[%mul3A_124] : memref<9984xi32, #tpu.memory_space<vmem>> -> memref<128xi32, #tpu.memory_space<vmem>>
        %dma_start3A_139 = arith.constant 0 : i32
        %dma_start3A_140 = arith.constant 0 : i32
        %dma_start3A_141 = tpu.memref_slice %arg11[%dma_start3A_139, %dma_start3A_140] : memref<10000x64xf32, #tpu.memory_space<vmem_shared>> -> memref<10000x64xf32, #tpu.memory_space<vmem_shared>>
        tpu.enqueue_indirect_dma source(%dma_start3A_137 : memref<128x64xf32, #tpu.memory_space<vmem>>) target(%dma_start3A_141 : memref<10000x64xf32, #tpu.memory_space<vmem_shared>>) offsets(%dma_start3A_138 : memref<128xi32, #tpu.memory_space<vmem>>) semaphore(%run_scoped3A_133 : memref<!tpu.dma_semaphore, #tpu.memory_space<semaphore_mem>>) {add = true}
        %dma_wait3A_142 = arith.constant 0 : i32
        %dma_wait3A_143 = arith.constant 0 : i32
        %dma_wait3A_144 = tpu.memref_slice %arg9[%run_scoped3A_125, %dma_wait3A_142, %dma_wait3A_143] : memref<3x128x64xf32, #tpu.memory_space<vmem>> -> memref<1x128x64xf32, #tpu.memory_space<vmem>>
        %dma_wait3A_145 = tpu.memref_squeeze %dma_wait3A_144 : memref<1x128x64xf32, #tpu.memory_space<vmem>> -> memref<128x64xf32, #tpu.memory_space<vmem>>
        %dma_wait3A_146 = tpu.memref_slice %arg6[%mul3A_124] : memref<9984xi32, #tpu.memory_space<vmem>> -> memref<128xi32, #tpu.memory_space<vmem>>
        %dma_wait3A_147 = arith.constant 0 : i32
        %dma_wait3A_148 = arith.constant 0 : i32
        %dma_wait3A_149 = tpu.memref_slice %arg11[%dma_wait3A_147, %dma_wait3A_148] : memref<10000x64xf32, #tpu.memory_space<vmem_shared>> -> memref<10000x64xf32, #tpu.memory_space<vmem_shared>>
        tpu.wait_indirect_dma semaphore(%run_scoped3A_133 : memref<!tpu.dma_semaphore, #tpu.memory_space<semaphore_mem>>) src(%dma_wait3A_145 : memref<128x64xf32, #tpu.memory_space<vmem>>) dst(%dma_wait3A_149 : memref<10000x64xf32, #tpu.memory_space<vmem_shared>>)
        tpu.yield
      }) : () -> ()
      %add3A_126 = arith.constant 3 : i32
      %add3A_127 = arith.addi %add3A_111, %add3A_126 : i32
      %lt3A_128 = arith.constant 78 : i32
      %lt3A_129 = arith.cmpi slt, %add3A_127, %lt3A_128 : i32
      %convert_element_type3A_130 = arith.extui %lt3A_129 : i1 to i32
      %cond3A_131 = arith.constant 0 : i32
      %cond3A_132 = arith.cmpi ne, %convert_element_type3A_130, %cond3A_131 : i32
      scf.if %cond3A_132 {
        %add3A_133 = arith.constant 3 : i32
        %add3A_134 = arith.addi %add3A_111, %add3A_133 : i32
        %mul3A_135 = arith.constant 128 : i32
        %mul3A_136 = arith.muli %add3A_134, %mul3A_135 : i32
        %dma_start3A_137 = arith.constant 2 : i32
        %dma_start3A_138 = arith.constant 0 : i32
        %dma_start3A_139 = arith.constant 0 : i32
        %dma_start3A_140 = tpu.memref_slice %arg9[%dma_start3A_137, %dma_start3A_138, %dma_start3A_139] : memref<3x128x64xf32, #tpu.memory_space<vmem>> -> memref<1x128x64xf32, #tpu.memory_space<vmem>>
        %dma_start3A_141 = tpu.memref_squeeze %dma_start3A_140 : memref<1x128x64xf32, #tpu.memory_space<vmem>> -> memref<128x64xf32, #tpu.memory_space<vmem>>
        %dma_start3A_142 = tpu.memref_slice %arg5[%mul3A_136] : memref<9984xi32, #tpu.memory_space<vmem>> -> memref<128xi32, #tpu.memory_space<vmem>>
        %dma_start3A_143 = arith.constant 0 : i32
        %dma_start3A_144 = arith.constant 0 : i32
        %dma_start3A_145 = tpu.memref_slice %arg2[%dma_start3A_143, %dma_start3A_144] : memref<10000x64xf32, #tpu.memory_space<hbm>> -> memref<10000x64xf32, #tpu.memory_space<hbm>>
        tpu.enqueue_indirect_dma source(%dma_start3A_145 : memref<10000x64xf32, #tpu.memory_space<hbm>>) target(%dma_start3A_141 : memref<128x64xf32, #tpu.memory_space<vmem>>) offsets(%dma_start3A_142 : memref<128xi32, #tpu.memory_space<vmem>>) semaphore(%arg14 : memref<!tpu.dma_semaphore, #tpu.memory_space<semaphore_mem>>)
      } else {
      }
    }
    %scan3A_50 = arith.constant 26 : i32
    %dma_start3A_51 = arith.constant 0 : i32
    %dma_start3A_52 = arith.constant 0 : i32
    %dma_start3A_53 = tpu.memref_slice %arg2[%dma_start3A_51, %dma_start3A_52] : memref<10000x64xf32, #tpu.memory_space<hbm>> -> memref<10000x64xf32, #tpu.memory_space<hbm>>
    tpu.enqueue_indirect_dma source(%dma_start3A_53 : memref<10000x64xf32, #tpu.memory_space<hbm>>) target(%arg10 : memref<16x64xf32, #tpu.memory_space<vmem>>) offsets(%arg7 : memref<16xi32, #tpu.memory_space<vmem>>) semaphore(%arg12 : memref<!tpu.dma_semaphore, #tpu.memory_space<semaphore_mem>>)
    %dma_wait3A = arith.constant 0 : i32
    %dma_wait3A_54 = arith.constant 0 : i32
    %dma_wait3A_55 = tpu.memref_slice %arg2[%dma_wait3A, %dma_wait3A_54] : memref<10000x64xf32, #tpu.memory_space<hbm>> -> memref<10000x64xf32, #tpu.memory_space<hbm>>
    tpu.wait_indirect_dma semaphore(%arg12 : memref<!tpu.dma_semaphore, #tpu.memory_space<semaphore_mem>>) src(%dma_wait3A_55 : memref<10000x64xf32, #tpu.memory_space<hbm>>) dst(%arg10 : memref<16x64xf32, #tpu.memory_space<vmem>>)
    "tpu.region"() ({
      %run_scoped3A = tpu.sem_alloc : memref<!tpu.dma_semaphore, #tpu.memory_space<semaphore_mem>>
      %dma_start3A_62 = arith.constant 0 : i32
      %dma_start3A_63 = arith.constant 0 : i32
      %dma_start3A_64 = tpu.memref_slice %arg11[%dma_start3A_62, %dma_start3A_63] : memref<10000x64xf32, #tpu.memory_space<vmem_shared>> -> memref<10000x64xf32, #tpu.memory_space<vmem_shared>>
      tpu.enqueue_indirect_dma source(%arg10 : memref<16x64xf32, #tpu.memory_space<vmem>>) target(%dma_start3A_64 : memref<10000x64xf32, #tpu.memory_space<vmem_shared>>) offsets(%arg8 : memref<16xi32, #tpu.memory_space<vmem>>) semaphore(%run_scoped3A : memref<!tpu.dma_semaphore, #tpu.memory_space<semaphore_mem>>) {add = true}
      %dma_wait3A_65 = arith.constant 0 : i32
      %dma_wait3A_66 = arith.constant 0 : i32
      %dma_wait3A_67 = tpu.memref_slice %arg11[%dma_wait3A_65, %dma_wait3A_66] : memref<10000x64xf32, #tpu.memory_space<vmem_shared>> -> memref<10000x64xf32, #tpu.memory_space<vmem_shared>>
      tpu.wait_indirect_dma semaphore(%run_scoped3A : memref<!tpu.dma_semaphore, #tpu.memory_space<semaphore_mem>>) src(%arg10 : memref<16x64xf32, #tpu.memory_space<vmem>>) dst(%dma_wait3A_67 : memref<10000x64xf32, #tpu.memory_space<vmem_shared>>)
      tpu.yield
    }) : () -> ()
    %barrier3A_56 = arith.constant 0 : index
    tpu.barrier barrier_id(%barrier3A_56)
    %lt3A_57 = arith.constant 10 : i32
    %lt3A_58 = arith.cmpi slt, %arg1, %lt3A_57 : i32
    %convert_element_type3A_59 = arith.extui %lt3A_58 : i1 to i32
    %cond3A_60 = arith.constant 0 : i32
    %cond3A_61 = arith.cmpi ne, %convert_element_type3A_59, %cond3A_60 : i32
    scf.if %cond3A_61 {
      %mul3A_62 = arith.constant 10000 : i32
      %mul3A_63 = arith.muli %arg0, %mul3A_62 : i32
      %mul3A_64 = arith.constant 1000 : i32
      %mul3A_65 = arith.muli %arg1, %mul3A_64 : i32
      %add3A_66 = arith.addi %mul3A_63, %mul3A_65 : i32
      "tpu.region"() ({
        %run_scoped3A = tpu.sem_alloc : memref<!tpu.dma_semaphore, #tpu.memory_space<semaphore_mem>>
        %dma_start3A_67 = arith.constant 0 : i32
        %dma_start3A_68 = tpu.memref_slice %arg4[%add3A_66, %dma_start3A_67] : memref<20000x64xf32, #tpu.memory_space<hbm>> -> memref<1000x64xf32, #tpu.memory_space<hbm>>
        %dma_start3A_69 = arith.constant 0 : i32
        %dma_start3A_70 = tpu.memref_slice %arg11[%mul3A_2, %dma_start3A_69] : memref<10000x64xf32, #tpu.memory_space<vmem_shared>> -> memref<1000x64xf32, #tpu.memory_space<vmem_shared>>
        tpu.enqueue_dma source(%dma_start3A_70 : memref<1000x64xf32, #tpu.memory_space<vmem_shared>>) target(%dma_start3A_68 : memref<1000x64xf32, #tpu.memory_space<hbm>>) target_semaphore(%run_scoped3A : memref<!tpu.dma_semaphore, #tpu.memory_space<semaphore_mem>>)
        %dma_wait3A_71 = arith.constant 0 : i32
        %dma_wait3A_72 = tpu.memref_slice %arg4[%add3A_66, %dma_wait3A_71] : memref<20000x64xf32, #tpu.memory_space<hbm>> -> memref<1000x64xf32, #tpu.memory_space<hbm>>
        %dma_wait3A_73 = arith.constant 0 : i32
        %dma_wait3A_74 = tpu.memref_slice %arg11[%mul3A_2, %dma_wait3A_73] : memref<10000x64xf32, #tpu.memory_space<vmem_shared>> -> memref<1000x64xf32, #tpu.memory_space<vmem_shared>>
        tpu.wait_dma2 semaphore(%run_scoped3A : memref<!tpu.dma_semaphore, #tpu.memory_space<semaphore_mem>>) src(%dma_wait3A_74 : memref<1000x64xf32, #tpu.memory_space<vmem_shared>>) dst(%dma_wait3A_72 : memref<1000x64xf32, #tpu.memory_space<hbm>>)
        tpu.yield
      }) : () -> ()
    } else {
    }
    return
  }
}

#map = affine_map<(d0, d1) -> (0)>
module attributes {stable_mosaic.version = 14 : i64} {
  func.func @body(%arg0: i32, %arg1: i32, %arg2: memref<640000xi32, #tpu.memory_space<hbm>>, %arg3: memref<20480xf32, #tpu.memory_space<hbm>>, %arg4: memref<10000xi32, #tpu.memory_space<vmem>>, %arg5: memref<128xf32, #tpu.memory_space<vmem>>, %arg6: memref<640xf32, #tpu.memory_space<vmem>>, %arg7: memref<10240xf32, #tpu.memory_space<vmem_shared>>, %arg8: memref<!tpu.dma_semaphore, #tpu.memory_space<semaphore_mem>>) attributes {dimension_semantics = [#tpu.dimension_semantics<core_parallel>, #tpu.dimension_semantics<subcore_parallel>], iteration_bounds = array<i64: 2, 16>, scalar_prefetch = 0 : i64, scratch_operands = 5 : i64, tpu.core_type = #tpu.core_type<sc_vector_subcore>, window_params = [{transform_indices = #map}, {transform_indices = #map}]} {
    %mul3A = arith.constant 2 : i32
    %mul3A_0 = arith.muli %arg1, %mul3A : i32
    %add3A = arith.addi %mul3A_0, %arg0 : i32
    %scan3A = arith.constant 0 : i32
    %scan3A_1 = arith.constant 0 : i32
    %scan3A_2 = arith.constant 8 : i32
    %scan3A_3 = arith.addi %scan3A_1, %scan3A_2 : i32
    %scan3A_4 = arith.constant 1 : i32
    scf.for %scan3A_38 = %scan3A_1 to %scan3A_3 step %scan3A_4  : i32 {
      %broadcast_in_dim3A = arith.constant 1.000000e+00 : f32
      %broadcast_in_dim3A_39 = vector.broadcast %broadcast_in_dim3A : f32 to vector<16xf32>
      %mul3A_40 = arith.constant 16 : i32
      %mul3A_41 = arith.muli %scan3A_38, %mul3A_40 : i32
      %swap3A = arith.index_cast %mul3A_41 : i32 to index
      %swap3A_42 = tpu.vector_load %arg5[%swap3A] {strides = array<i32>} : memref<128xf32, #tpu.memory_space<vmem>>, vector<16xf32>,
      %swap3A_43 = vector.shape_cast %swap3A_42 : vector<16xf32> to vector<16xf32>
      %swap3A_44 = vector.shape_cast %broadcast_in_dim3A_39 : vector<16xf32> to vector<16xf32>
      tpu.vector_store %arg5[%swap3A], %swap3A_44 {strides = array<i32>} : memref<128xf32, #tpu.memory_space<vmem>>, vector<16xf32>,
    }
    %scan3A_5 = arith.constant 8 : i32
    %scan3A_6 = arith.constant 0 : i32
    %scan3A_7 = arith.constant 0 : i32
    %scan3A_8 = arith.constant 40 : i32
    %scan3A_9 = arith.addi %scan3A_7, %scan3A_8 : i32
    %scan3A_10 = arith.constant 1 : i32
    scf.for %scan3A_38 = %scan3A_7 to %scan3A_9 step %scan3A_10  : i32 {
      %broadcast_in_dim3A = arith.constant 0.000000e+00 : f32
      %broadcast_in_dim3A_39 = vector.broadcast %broadcast_in_dim3A : f32 to vector<16xf32>
      %mul3A_40 = arith.constant 16 : i32
      %mul3A_41 = arith.muli %scan3A_38, %mul3A_40 : i32
      %swap3A = arith.index_cast %mul3A_41 : i32 to index
      %swap3A_42 = tpu.vector_load %arg6[%swap3A] {strides = array<i32>} : memref<640xf32, #tpu.memory_space<vmem>>, vector<16xf32>,
      %swap3A_43 = vector.shape_cast %swap3A_42 : vector<16xf32> to vector<16xf32>
      %swap3A_44 = vector.shape_cast %broadcast_in_dim3A_39 : vector<16xf32> to vector<16xf32>
      tpu.vector_store %arg6[%swap3A], %swap3A_44 {strides = array<i32>} : memref<640xf32, #tpu.memory_space<vmem>>, vector<16xf32>,
    }
    %scan3A_11 = arith.constant 40 : i32
    %mul3A_12 = arith.constant 640 : i32
    %mul3A_13 = arith.muli %arg1, %mul3A_12 : i32
    "tpu.region"() ({
      %run_scoped3A = tpu.sem_alloc : memref<!tpu.dma_semaphore, #tpu.memory_space<semaphore_mem>>
      %dma_start3A = tpu.memref_slice %arg7[%mul3A_13] : memref<10240xf32, #tpu.memory_space<vmem_shared>> -> memref<640xf32, #tpu.memory_space<vmem_shared>>
      %dma_start3A_38 = tpu.memref_slice %arg7[%mul3A_13] : memref<10240xf32, #tpu.memory_space<vmem_shared>> -> memref<640xf32, #tpu.memory_space<vmem_shared>>
      tpu.enqueue_dma source(%arg6 : memref<640xf32, #tpu.memory_space<vmem>>) target(%dma_start3A_38 : memref<640xf32, #tpu.memory_space<vmem_shared>>) target_semaphore(%run_scoped3A : memref<!tpu.dma_semaphore, #tpu.memory_space<semaphore_mem>>)
      %dma_wait3A = tpu.memref_slice %arg7[%mul3A_13] : memref<10240xf32, #tpu.memory_space<vmem_shared>> -> memref<640xf32, #tpu.memory_space<vmem_shared>>
      %dma_wait3A_39 = tpu.memref_slice %arg7[%mul3A_13] : memref<10240xf32, #tpu.memory_space<vmem_shared>> -> memref<640xf32, #tpu.memory_space<vmem_shared>>
      tpu.wait_dma2 semaphore(%run_scoped3A : memref<!tpu.dma_semaphore, #tpu.memory_space<semaphore_mem>>) src(%arg6 : memref<640xf32, #tpu.memory_space<vmem>>) dst(%dma_wait3A_39 : memref<640xf32, #tpu.memory_space<vmem_shared>>)
      tpu.yield
    }) : () -> ()
    %mul3A_14 = arith.constant 10000 : i32
    %mul3A_15 = arith.muli %add3A, %mul3A_14 : i32
    %add3A_16 = arith.constant 320000 : i32
    %add3A_17 = arith.addi %add3A_16, %mul3A_15 : i32
    "tpu.region"() ({
      %run_scoped3A = tpu.sem_alloc : memref<!tpu.dma_semaphore, #tpu.memory_space<semaphore_mem>>
      %dma_start3A = tpu.memref_slice %arg2[%add3A_17] : memref<640000xi32, #tpu.memory_space<hbm>> -> memref<10000xi32, #tpu.memory_space<hbm>>
      %dma_start3A_38 = tpu.memref_slice %arg2[%add3A_17] : memref<640000xi32, #tpu.memory_space<hbm>> -> memref<10000xi32, #tpu.memory_space<hbm>>
      tpu.enqueue_dma source(%dma_start3A_38 : memref<10000xi32, #tpu.memory_space<hbm>>) target(%arg4 : memref<10000xi32, #tpu.memory_space<vmem>>) target_semaphore(%run_scoped3A : memref<!tpu.dma_semaphore, #tpu.memory_space<semaphore_mem>>)
      %dma_wait3A = tpu.memref_slice %arg2[%add3A_17] : memref<640000xi32, #tpu.memory_space<hbm>> -> memref<10000xi32, #tpu.memory_space<hbm>>
      %dma_wait3A_39 = tpu.memref_slice %arg2[%add3A_17] : memref<640000xi32, #tpu.memory_space<hbm>> -> memref<10000xi32, #tpu.memory_space<hbm>>
      tpu.wait_dma2 semaphore(%run_scoped3A : memref<!tpu.dma_semaphore, #tpu.memory_space<semaphore_mem>>) src(%dma_wait3A_39 : memref<10000xi32, #tpu.memory_space<hbm>>) dst(%arg4 : memref<10000xi32, #tpu.memory_space<vmem>>)
      tpu.yield
    }) : () -> ()
    %barrier3A = arith.constant 0 : index
    tpu.barrier barrier_id(%barrier3A)
    %scan3A_18 = arith.constant 0 : i32
    %scan3A_19 = arith.constant 0 : i32
    %scan3A_20 = arith.constant 78 : i32
    %scan3A_21 = arith.addi %scan3A_19, %scan3A_20 : i32
    %scan3A_22 = arith.constant 1 : i32
    scf.for %scan3A_38 = %scan3A_19 to %scan3A_21 step %scan3A_22  : i32 {
      %mul3A_39 = arith.constant 128 : i32
      %mul3A_40 = arith.muli %scan3A_38, %mul3A_39 : i32
      %dma_start3A = tpu.memref_slice %arg4[%mul3A_40] : memref<10000xi32, #tpu.memory_space<vmem>> -> memref<128xi32, #tpu.memory_space<vmem>>
      %dma_start3A_41 = arith.constant 0 : i32
      %dma_start3A_42 = tpu.memref_slice %arg7[%dma_start3A_41] : memref<10240xf32, #tpu.memory_space<vmem_shared>> -> memref<10240xf32, #tpu.memory_space<vmem_shared>>
      tpu.enqueue_indirect_dma source(%arg5 : memref<128xf32, #tpu.memory_space<vmem>>) target(%dma_start3A_42 : memref<10240xf32, #tpu.memory_space<vmem_shared>>) offsets(%dma_start3A : memref<128xi32, #tpu.memory_space<vmem>>) semaphore(%arg8 : memref<!tpu.dma_semaphore, #tpu.memory_space<semaphore_mem>>) {add = true}
    }
    %scan3A_23 = arith.constant 78 : i32
    %scan3A_24 = arith.constant 0 : i32
    %scan3A_25 = arith.constant 0 : i32
    %scan3A_26 = arith.constant 78 : i32
    %scan3A_27 = arith.addi %scan3A_25, %scan3A_26 : i32
    %scan3A_28 = arith.constant 1 : i32
    scf.for %scan3A_38 = %scan3A_25 to %scan3A_27 step %scan3A_28  : i32 {
      %mul3A_39 = arith.constant 128 : i32
      %mul3A_40 = arith.muli %scan3A_38, %mul3A_39 : i32
      %dma_wait3A = tpu.memref_slice %arg4[%mul3A_40] : memref<10000xi32, #tpu.memory_space<vmem>> -> memref<128xi32, #tpu.memory_space<vmem>>
      %dma_wait3A_41 = arith.constant 0 : i32
      %dma_wait3A_42 = tpu.memref_slice %arg7[%dma_wait3A_41] : memref<10240xf32, #tpu.memory_space<vmem_shared>> -> memref<10240xf32, #tpu.memory_space<vmem_shared>>
      tpu.wait_indirect_dma semaphore(%arg8 : memref<!tpu.dma_semaphore, #tpu.memory_space<semaphore_mem>>) src(%arg5 : memref<128xf32, #tpu.memory_space<vmem>>) dst(%dma_wait3A_42 : memref<10240xf32, #tpu.memory_space<vmem_shared>>)
    }
    %scan3A_29 = arith.constant 78 : i32
    "tpu.region"() ({
      %run_scoped3A = tpu.sem_alloc : memref<!tpu.dma_semaphore, #tpu.memory_space<semaphore_mem>>
      %dma_start3A = arith.constant 0 : i32
      %dma_start3A_38 = tpu.memref_slice %arg5[%dma_start3A] : memref<128xf32, #tpu.memory_space<vmem>> -> memref<16xf32, #tpu.memory_space<vmem>>
      %dma_start3A_39 = arith.constant 9984 : i32
      %dma_start3A_40 = tpu.memref_slice %arg4[%dma_start3A_39] : memref<10000xi32, #tpu.memory_space<vmem>> -> memref<16xi32, #tpu.memory_space<vmem>>
      %dma_start3A_41 = arith.constant 0 : i32
      %dma_start3A_42 = tpu.memref_slice %arg7[%dma_start3A_41] : memref<10240xf32, #tpu.memory_space<vmem_shared>> -> memref<10240xf32, #tpu.memory_space<vmem_shared>>
      tpu.enqueue_indirect_dma source(%dma_start3A_38 : memref<16xf32, #tpu.memory_space<vmem>>) target(%dma_start3A_42 : memref<10240xf32, #tpu.memory_space<vmem_shared>>) offsets(%dma_start3A_40 : memref<16xi32, #tpu.memory_space<vmem>>) semaphore(%run_scoped3A : memref<!tpu.dma_semaphore, #tpu.memory_space<semaphore_mem>>) {add = true}
      %dma_wait3A = arith.constant 0 : i32
      %dma_wait3A_43 = tpu.memref_slice %arg5[%dma_wait3A] : memref<128xf32, #tpu.memory_space<vmem>> -> memref<16xf32, #tpu.memory_space<vmem>>
      %dma_wait3A_44 = arith.constant 9984 : i32
      %dma_wait3A_45 = tpu.memref_slice %arg4[%dma_wait3A_44] : memref<10000xi32, #tpu.memory_space<vmem>> -> memref<16xi32, #tpu.memory_space<vmem>>
      %dma_wait3A_46 = arith.constant 0 : i32
      %dma_wait3A_47 = tpu.memref_slice %arg7[%dma_wait3A_46] : memref<10240xf32, #tpu.memory_space<vmem_shared>> -> memref<10240xf32, #tpu.memory_space<vmem_shared>>
      tpu.wait_indirect_dma semaphore(%run_scoped3A : memref<!tpu.dma_semaphore, #tpu.memory_space<semaphore_mem>>) src(%dma_wait3A_43 : memref<16xf32, #tpu.memory_space<vmem>>) dst(%dma_wait3A_47 : memref<10240xf32, #tpu.memory_space<vmem_shared>>)
      tpu.yield
    }) : () -> ()
    %barrier3A_30 = arith.constant 0 : index
    tpu.barrier barrier_id(%barrier3A_30)
    %mul3A_31 = arith.constant 640 : i32
    %mul3A_32 = arith.muli %arg1, %mul3A_31 : i32
    %mul3A_33 = arith.constant 10240 : i32
    %mul3A_34 = arith.muli %arg0, %mul3A_33 : i32
    %mul3A_35 = arith.constant 640 : i32
    %mul3A_36 = arith.muli %arg1, %mul3A_35 : i32
    %add3A_37 = arith.addi %mul3A_34, %mul3A_36 : i32
    "tpu.region"() ({
      %run_scoped3A = tpu.sem_alloc : memref<!tpu.dma_semaphore, #tpu.memory_space<semaphore_mem>>
      %dma_start3A = tpu.memref_slice %arg3[%add3A_37] : memref<20480xf32, #tpu.memory_space<hbm>> -> memref<640xf32, #tpu.memory_space<hbm>>
      %dma_start3A_38 = tpu.memref_slice %arg7[%mul3A_32] : memref<10240xf32, #tpu.memory_space<vmem_shared>> -> memref<640xf32, #tpu.memory_space<vmem_shared>>
      tpu.enqueue_dma source(%dma_start3A_38 : memref<640xf32, #tpu.memory_space<vmem_shared>>) target(%dma_start3A : memref<640xf32, #tpu.memory_space<hbm>>) target_semaphore(%run_scoped3A : memref<!tpu.dma_semaphore, #tpu.memory_space<semaphore_mem>>)
      %dma_wait3A = tpu.memref_slice %arg3[%add3A_37] : memref<20480xf32, #tpu.memory_space<hbm>> -> memref<640xf32, #tpu.memory_space<hbm>>
      %dma_wait3A_39 = tpu.memref_slice %arg7[%mul3A_32] : memref<10240xf32, #tpu.memory_space<vmem_shared>> -> memref<640xf32, #tpu.memory_space<vmem_shared>>
      tpu.wait_dma2 semaphore(%run_scoped3A : memref<!tpu.dma_semaphore, #tpu.memory_space<semaphore_mem>>) src(%dma_wait3A_39 : memref<640xf32, #tpu.memory_space<vmem_shared>>) dst(%dma_wait3A : memref<640xf32, #tpu.memory_space<hbm>>)
      tpu.yield
    }) : () -> ()
    return
  }
}

module attributes {stable_mosaic.version = 14 : i64} {
  func.func @body(%arg0: i32, %arg1: memref<2000x128xf32, #tpu.memory_space<vmem>>, %arg2: memref<128x128xf32, #tpu.memory_space<vmem>>, %arg3: memref<2000x1xf32, #tpu.memory_space<vmem>>, %arg4: memref<2000x1xf32, #tpu.memory_space<vmem>>, %arg5: memref<2000x128xf32, #tpu.memory_space<vmem>>) attributes {dimension_semantics = [#tpu.dimension_semantics<arbitrary>], iteration_bounds = array<i64: 5>, scalar_prefetch = 0 : i64, scratch_operands = 0 : i64, tpu.core_type = #tpu.core_type<tc>, window_params = [{transform_indices = @transform_0, window_bounds = array<i64: 2000, 128>}, {pipeline_mode = #tpu.pipeline_mode<synchronous>, transform_indices = @transform_1, window_bounds = array<i64: 128, 128>}, {transform_indices = @transform_2, window_bounds = array<i64: 2000, 1>}, {transform_indices = @transform_3, window_bounds = array<i64: 2000, 1>}, {transform_indices = @transform_4, window_bounds = array<i64: 2000, 128>}]} {
    %get3A = arith.constant 0 : index
    %get3A_0 = arith.constant 0 : index
    %get3A_1 = vector.load %arg3[%get3A, %get3A_0] : memref<2000x1xf32, #tpu.memory_space<vmem>>, vector<2000x1xf32>
    %get3A_2 = arith.constant 0 : index
    %get3A_3 = arith.constant 0 : index
    %get3A_4 = vector.load %arg4[%get3A_2, %get3A_3] : memref<2000x1xf32, #tpu.memory_space<vmem>>, vector<2000x1xf32>
    %add3A = arith.addf %get3A_1, %get3A_4 : vector<2000x1xf32>
    %add3A_5 = arith.constant 1.000000e+00 : f32
    %add3A_6 = vector.broadcast %add3A_5 : f32 to vector<2000x1xf32>
    %add3A_7 = arith.addf %add3A, %add3A_6 : vector<2000x1xf32>
    %rsqrt3A = math.rsqrt %add3A_7 : vector<2000x1xf32>
    %get3A_8 = arith.constant 0 : index
    %get3A_9 = arith.constant 0 : index
    %get3A_10 = vector.load %arg1[%get3A_8, %get3A_9] : memref<2000x128xf32, #tpu.memory_space<vmem>>, vector<2000x128xf32>
    %get3A_11 = arith.constant 0 : index
    %get3A_12 = arith.constant 0 : index
    %get3A_13 = vector.load %arg2[%get3A_11, %get3A_12] : memref<128x128xf32, #tpu.memory_space<vmem>>, vector<128x128xf32>
    %dot_general3A = arith.constant dense<0.000000e+00> : vector<2000x128xf32>
    %dot_general3A_14 = tpu.matmul %get3A_10, %get3A_13, %dot_general3A {dimension_numbers = #tpu.dot_dimension_numbers<[1], [1], [0], [0], [0, 0, 1, 0], [], []>, transpose_lhs_hint = false} : vector<2000x128xf32>, vector<128x128xf32>, vector<2000x128xf32> -> vector<2000x128xf32>
    %mul3A = vector.broadcast %rsqrt3A : vector<2000x1xf32> to vector<2000x128xf32>
    %mul3A_15 = arith.mulf %dot_general3A_14, %mul3A : vector<2000x128xf32>
    %swap3A = arith.constant 0 : index
    %swap3A_16 = arith.constant 0 : index
    %swap3A_17 = vector.load %arg5[%swap3A, %swap3A_16] : memref<2000x128xf32, #tpu.memory_space<vmem>>, vector<2000x128xf32>
    tpu.vector_store %arg5[%swap3A, %swap3A_16], %mul3A_15 {strides = array<i32>} : memref<2000x128xf32, #tpu.memory_space<vmem>>, vector<2000x128xf32>,
    return
  }
  func.func @transform_0(%arg0: i32) -> (i32, i32) {
    %c0_i32 = arith.constant 0 : i32
    %c0_i32_0 = arith.constant 0 : i32
    return %arg0, %c0_i32 : i32, i32
  }
  func.func @transform_1(%arg0: i32) -> (i32, i32) {
    %c0_i32 = arith.constant 0 : i32
    %c0_i32_0 = arith.constant 0 : i32
    %c0_i32_1 = arith.constant 0 : i32
    return %c0_i32, %c0_i32_0 : i32, i32
  }
  func.func @transform_2(%arg0: i32) -> (i32, i32) {
    %c0_i32 = arith.constant 0 : i32
    %c0_i32_0 = arith.constant 0 : i32
    return %arg0, %c0_i32 : i32, i32
  }
  func.func @transform_3(%arg0: i32) -> (i32, i32) {
    %c0_i32 = arith.constant 0 : i32
    %c0_i32_0 = arith.constant 0 : i32
    return %arg0, %c0_i32 : i32, i32
  }
  func.func @transform_4(%arg0: i32) -> (i32, i32) {
    %c0_i32 = arith.constant 0 : i32
    %c0_i32_0 = arith.constant 0 : i32
    return %arg0, %c0_i32 : i32, i32
  }
}

module attributes {stable_mosaic.version = 14 : i64} {
  func.func @body(%arg0: i32, %arg1: memref<2000x128xf32, #tpu.memory_space<vmem>>, %arg2: memref<2000x128xf32, #tpu.memory_space<vmem>>, %arg3: memref<2000x128xf32, #tpu.memory_space<vmem>>, %arg4: memref<2000x1xf32, #tpu.memory_space<vmem>>, %arg5: memref<2000x1xf32, #tpu.memory_space<vmem>>, %arg6: memref<1x128xf32, #tpu.memory_space<vmem>>, %arg7: memref<64x128xf32, #tpu.memory_space<vmem>>, %arg8: memref<2000x64xf32, #tpu.memory_space<vmem>>) attributes {dimension_semantics = [#tpu.dimension_semantics<arbitrary>], iteration_bounds = array<i64: 5>, scalar_prefetch = 0 : i64, scratch_operands = 0 : i64, tpu.core_type = #tpu.core_type<tc>, window_params = [{transform_indices = @transform_0, window_bounds = array<i64: 2000, 128>}, {transform_indices = @transform_1, window_bounds = array<i64: 2000, 128>}, {transform_indices = @transform_2, window_bounds = array<i64: 2000, 128>}, {transform_indices = @transform_3, window_bounds = array<i64: 2000, 1>}, {transform_indices = @transform_4, window_bounds = array<i64: 2000, 1>}, {pipeline_mode = #tpu.pipeline_mode<synchronous>, transform_indices = @transform_5, window_bounds = array<i64: 1, 128>}, {pipeline_mode = #tpu.pipeline_mode<synchronous>, transform_indices = @transform_6, window_bounds = array<i64: 64, 128>}, {transform_indices = @transform_7, window_bounds = array<i64: 2000, 64>}]} {
    %get3A = arith.constant 0 : index
    %get3A_0 = arith.constant 0 : index
    %get3A_1 = vector.load %arg4[%get3A, %get3A_0] : memref<2000x1xf32, #tpu.memory_space<vmem>>, vector<2000x1xf32>
    %get3A_2 = arith.constant 0 : index
    %get3A_3 = arith.constant 0 : index
    %get3A_4 = vector.load %arg5[%get3A_2, %get3A_3] : memref<2000x1xf32, #tpu.memory_space<vmem>>, vector<2000x1xf32>
    %add3A = arith.addf %get3A_1, %get3A_4 : vector<2000x1xf32>
    %add3A_5 = arith.constant 1.000000e+00 : f32
    %add3A_6 = vector.broadcast %add3A_5 : f32 to vector<2000x1xf32>
    %add3A_7 = arith.addf %add3A, %add3A_6 : vector<2000x1xf32>
    %rsqrt3A = math.rsqrt %add3A_7 : vector<2000x1xf32>
    %get3A_8 = arith.constant 0 : index
    %get3A_9 = arith.constant 0 : index
    %get3A_10 = vector.load %arg1[%get3A_8, %get3A_9] : memref<2000x128xf32, #tpu.memory_space<vmem>>, vector<2000x128xf32>
    %get3A_11 = arith.constant 0 : index
    %get3A_12 = arith.constant 0 : index
    %get3A_13 = vector.load %arg2[%get3A_11, %get3A_12] : memref<2000x128xf32, #tpu.memory_space<vmem>>, vector<2000x128xf32>
    %add3A_14 = arith.addf %get3A_10, %get3A_13 : vector<2000x128xf32>
    %get3A_15 = arith.constant 0 : index
    %get3A_16 = arith.constant 0 : index
    %get3A_17 = vector.load %arg3[%get3A_15, %get3A_16] : memref<2000x128xf32, #tpu.memory_space<vmem>>, vector<2000x128xf32>
    %sub3A = arith.subf %add3A_14, %get3A_17 : vector<2000x128xf32>
    %mul3A = vector.broadcast %rsqrt3A : vector<2000x1xf32> to vector<2000x128xf32>
    %mul3A_18 = arith.mulf %sub3A, %mul3A : vector<2000x128xf32>
    %get3A_19 = arith.constant 0 : index
    %get3A_20 = arith.constant 0 : index
    %get3A_21 = vector.load %arg6[%get3A_19, %get3A_20] : memref<1x128xf32, #tpu.memory_space<vmem>>, vector<1x128xf32>
    %add3A_22 = vector.broadcast %get3A_21 : vector<1x128xf32> to vector<2000x128xf32>
    %add3A_23 = arith.addf %mul3A_18, %add3A_22 : vector<2000x128xf32>
    %max3A = arith.constant 0.000000e+00 : f32
    %max3A_24 = vector.broadcast %max3A : f32 to vector<2000x128xf32>
    %max3A_25 = arith.maximumf %add3A_23, %max3A_24 : vector<2000x128xf32>
    %get3A_26 = arith.constant 0 : index
    %get3A_27 = arith.constant 0 : index
    %get3A_28 = vector.load %arg7[%get3A_26, %get3A_27] : memref<64x128xf32, #tpu.memory_space<vmem>>, vector<64x128xf32>
    %dot_general3A = arith.constant dense<0.000000e+00> : vector<2000x64xf32>
    %dot_general3A_29 = tpu.matmul %max3A_25, %get3A_28, %dot_general3A {dimension_numbers = #tpu.dot_dimension_numbers<[1], [1], [0], [0], [0, 0, 1, 0], [], []>, transpose_lhs_hint = false} : vector<2000x128xf32>, vector<64x128xf32>, vector<2000x64xf32> -> vector<2000x64xf32>
    %mul3A_30 = vector.broadcast %rsqrt3A : vector<2000x1xf32> to vector<2000x64xf32>
    %mul3A_31 = arith.mulf %dot_general3A_29, %mul3A_30 : vector<2000x64xf32>
    %swap3A = arith.constant 0 : index
    %swap3A_32 = arith.constant 0 : index
    %swap3A_33 = vector.load %arg8[%swap3A, %swap3A_32] : memref<2000x64xf32, #tpu.memory_space<vmem>>, vector<2000x64xf32>
    tpu.vector_store %arg8[%swap3A, %swap3A_32], %mul3A_31 {strides = array<i32>} : memref<2000x64xf32, #tpu.memory_space<vmem>>, vector<2000x64xf32>,
    return
  }
  func.func @transform_0(%arg0: i32) -> (i32, i32) {
    %c0_i32 = arith.constant 0 : i32
    %c0_i32_0 = arith.constant 0 : i32
    return %arg0, %c0_i32 : i32, i32
  }
  func.func @transform_1(%arg0: i32) -> (i32, i32) {
    %add3A = arith.constant 5 : i32
    %add3A_0 = arith.addi %arg0, %add3A : i32
    %c0_i32 = arith.constant 0 : i32
    %c0_i32_1 = arith.constant 0 : i32
    return %add3A_0, %c0_i32 : i32, i32
  }
  func.func @transform_2(%arg0: i32) -> (i32, i32) {
    %c0_i32 = arith.constant 0 : i32
    %c0_i32_0 = arith.constant 0 : i32
    return %arg0, %c0_i32 : i32, i32
  }
  func.func @transform_3(%arg0: i32) -> (i32, i32) {
    %c0_i32 = arith.constant 0 : i32
    %c0_i32_0 = arith.constant 0 : i32
    return %arg0, %c0_i32 : i32, i32
  }
  func.func @transform_4(%arg0: i32) -> (i32, i32) {
    %c0_i32 = arith.constant 0 : i32
    %c0_i32_0 = arith.constant 0 : i32
    return %arg0, %c0_i32 : i32, i32
  }
  func.func @transform_5(%arg0: i32) -> (i32, i32) {
    %c0_i32 = arith.constant 0 : i32
    %c0_i32_0 = arith.constant 0 : i32
    %c0_i32_1 = arith.constant 0 : i32
    return %c0_i32, %c0_i32_0 : i32, i32
  }
  func.func @transform_6(%arg0: i32) -> (i32, i32) {
    %c0_i32 = arith.constant 0 : i32
    %c0_i32_0 = arith.constant 0 : i32
    %c0_i32_1 = arith.constant 0 : i32
    return %c0_i32, %c0_i32_0 : i32, i32
  }
  func.func @transform_7(%arg0: i32) -> (i32, i32) {
    %c0_i32 = arith.constant 0 : i32
    %c0_i32_0 = arith.constant 0 : i32
    return %arg0, %c0_i32 : i32, i32
  }
}

module attributes {stable_mosaic.version = 14 : i64} {
  func.func @body(%arg0: i32, %arg1: memref<2000x64xf32, #tpu.memory_space<vmem>>, %arg2: memref<2000x64xf32, #tpu.memory_space<vmem>>, %arg3: memref<2000x64xf32, #tpu.memory_space<vmem>>, %arg4: memref<2000x1xf32, #tpu.memory_space<vmem>>, %arg5: memref<2000x1xf32, #tpu.memory_space<vmem>>, %arg6: memref<1x64xf32, #tpu.memory_space<vmem>>, %arg7: memref<2000x64xf32, #tpu.memory_space<vmem>>) attributes {dimension_semantics = [#tpu.dimension_semantics<arbitrary>], iteration_bounds = array<i64: 5>, scalar_prefetch = 0 : i64, scratch_operands = 0 : i64, tpu.core_type = #tpu.core_type<tc>, window_params = [{transform_indices = @transform_0, window_bounds = array<i64: 2000, 64>}, {transform_indices = @transform_1, window_bounds = array<i64: 2000, 64>}, {transform_indices = @transform_2, window_bounds = array<i64: 2000, 64>}, {transform_indices = @transform_3, window_bounds = array<i64: 2000, 1>}, {transform_indices = @transform_4, window_bounds = array<i64: 2000, 1>}, {pipeline_mode = #tpu.pipeline_mode<synchronous>, transform_indices = @transform_5, window_bounds = array<i64: 1, 64>}, {transform_indices = @transform_6, window_bounds = array<i64: 2000, 64>}]} {
    %get3A = arith.constant 0 : index
    %get3A_0 = arith.constant 0 : index
    %get3A_1 = vector.load %arg4[%get3A, %get3A_0] : memref<2000x1xf32, #tpu.memory_space<vmem>>, vector<2000x1xf32>
    %get3A_2 = arith.constant 0 : index
    %get3A_3 = arith.constant 0 : index
    %get3A_4 = vector.load %arg5[%get3A_2, %get3A_3] : memref<2000x1xf32, #tpu.memory_space<vmem>>, vector<2000x1xf32>
    %add3A = arith.addf %get3A_1, %get3A_4 : vector<2000x1xf32>
    %add3A_5 = arith.constant 1.000000e+00 : f32
    %add3A_6 = vector.broadcast %add3A_5 : f32 to vector<2000x1xf32>
    %add3A_7 = arith.addf %add3A, %add3A_6 : vector<2000x1xf32>
    %rsqrt3A = math.rsqrt %add3A_7 : vector<2000x1xf32>
    %get3A_8 = arith.constant 0 : index
    %get3A_9 = arith.constant 0 : index
    %get3A_10 = vector.load %arg1[%get3A_8, %get3A_9] : memref<2000x64xf32, #tpu.memory_space<vmem>>, vector<2000x64xf32>
    %get3A_11 = arith.constant 0 : index
    %get3A_12 = arith.constant 0 : index
    %get3A_13 = vector.load %arg2[%get3A_11, %get3A_12] : memref<2000x64xf32, #tpu.memory_space<vmem>>, vector<2000x64xf32>
    %add3A_14 = arith.addf %get3A_10, %get3A_13 : vector<2000x64xf32>
    %get3A_15 = arith.constant 0 : index
    %get3A_16 = arith.constant 0 : index
    %get3A_17 = vector.load %arg3[%get3A_15, %get3A_16] : memref<2000x64xf32, #tpu.memory_space<vmem>>, vector<2000x64xf32>
    %sub3A = arith.subf %add3A_14, %get3A_17 : vector<2000x64xf32>
    %mul3A = vector.broadcast %rsqrt3A : vector<2000x1xf32> to vector<2000x64xf32>
    %mul3A_18 = arith.mulf %sub3A, %mul3A : vector<2000x64xf32>
    %get3A_19 = arith.constant 0 : index
    %get3A_20 = arith.constant 0 : index
    %get3A_21 = vector.load %arg6[%get3A_19, %get3A_20] : memref<1x64xf32, #tpu.memory_space<vmem>>, vector<1x64xf32>
    %add3A_22 = vector.broadcast %get3A_21 : vector<1x64xf32> to vector<2000x64xf32>
    %add3A_23 = arith.addf %mul3A_18, %add3A_22 : vector<2000x64xf32>
    %reduce_max3A = arith.constant dense<0xFF800000> : vector<2000xf32>
    %reduce_max3A_24 = vector.multi_reduction <maximumf>, %add3A_23, %reduce_max3A [1] : vector<2000x64xf32> to vector<2000xf32>
    %broadcast_in_dim3A = vector.shape_cast %reduce_max3A_24 : vector<2000xf32> to vector<2000x1xf32>
    %sub3A_25 = vector.broadcast %broadcast_in_dim3A : vector<2000x1xf32> to vector<2000x64xf32>
    %sub3A_26 = arith.subf %add3A_23, %sub3A_25 : vector<2000x64xf32>
    %exp3A = math.exp %sub3A_26 : vector<2000x64xf32>
    %reduce_sum3A = arith.constant dense<0.000000e+00> : vector<2000xf32>
    %reduce_sum3A_27 = vector.multi_reduction <add>, %exp3A, %reduce_sum3A [1] : vector<2000x64xf32> to vector<2000xf32>
    %broadcast_in_dim3A_28 = vector.shape_cast %reduce_sum3A_27 : vector<2000xf32> to vector<2000x1xf32>
    %sub3A_29 = vector.broadcast %broadcast_in_dim3A : vector<2000x1xf32> to vector<2000x64xf32>
    %sub3A_30 = arith.subf %add3A_23, %sub3A_29 : vector<2000x64xf32>
    %log3A = math.log %broadcast_in_dim3A_28 : vector<2000x1xf32>
    %sub3A_31 = vector.broadcast %log3A : vector<2000x1xf32> to vector<2000x64xf32>
    %sub3A_32 = arith.subf %sub3A_30, %sub3A_31 : vector<2000x64xf32>
    %swap3A = arith.constant 0 : index
    %swap3A_33 = arith.constant 0 : index
    %swap3A_34 = vector.load %arg7[%swap3A, %swap3A_33] : memref<2000x64xf32, #tpu.memory_space<vmem>>, vector<2000x64xf32>
    tpu.vector_store %arg7[%swap3A, %swap3A_33], %sub3A_32 {strides = array<i32>} : memref<2000x64xf32, #tpu.memory_space<vmem>>, vector<2000x64xf32>,
    return
  }
  func.func @transform_0(%arg0: i32) -> (i32, i32) {
    %c0_i32 = arith.constant 0 : i32
    %c0_i32_0 = arith.constant 0 : i32
    return %arg0, %c0_i32 : i32, i32
  }
  func.func @transform_1(%arg0: i32) -> (i32, i32) {
    %add3A = arith.constant 5 : i32
    %add3A_0 = arith.addi %arg0, %add3A : i32
    %c0_i32 = arith.constant 0 : i32
    %c0_i32_1 = arith.constant 0 : i32
    return %add3A_0, %c0_i32 : i32, i32
  }
  func.func @transform_2(%arg0: i32) -> (i32, i32) {
    %c0_i32 = arith.constant 0 : i32
    %c0_i32_0 = arith.constant 0 : i32
    return %arg0, %c0_i32 : i32, i32
  }
  func.func @transform_3(%arg0: i32) -> (i32, i32) {
    %c0_i32 = arith.constant 0 : i32
    %c0_i32_0 = arith.constant 0 : i32
    return %arg0, %c0_i32 : i32, i32
  }
  func.func @transform_4(%arg0: i32) -> (i32, i32) {
    %c0_i32 = arith.constant 0 : i32
    %c0_i32_0 = arith.constant 0 : i32
    return %arg0, %c0_i32 : i32, i32
  }
  func.func @transform_5(%arg0: i32) -> (i32, i32) {
    %c0_i32 = arith.constant 0 : i32
    %c0_i32_0 = arith.constant 0 : i32
    %c0_i32_1 = arith.constant 0 : i32
    return %c0_i32, %c0_i32_0 : i32, i32
  }
  func.func @transform_6(%arg0: i32) -> (i32, i32) {
    %c0_i32 = arith.constant 0 : i32
    %c0_i32_0 = arith.constant 0 : i32
    return %arg0, %c0_i32 : i32, i32
  }
}

</mosaic_0001>

<sc_bundles>
// kernel: kernel.11.cloned.1.call-start
scs
__scs_entry_jumppad:
0x0: {  	(pc) =	sbr.rel $0x88, $3  }
0x1: {  	(tag) =	ssettag $0x0;
	lr =	simm.s32 $0x1  }
0x2: {  	[smem:$0x3F9B] =	sst lr;
	_ =	strace $0xD0000000  }
0x3: {  	_ = 	snop  }
0x4: {  	_ = 	snop  }
0x5: {  	_ = 	snop  }
0x6: {  	_ = 	snop  }
0x7: {  	_ = 	snop  }
__scs_overlays_trampoline_lowered:
0x8: {  	[smem:$0x3FAA] =	sst s0  }
0x9: {  	[smem:$0x3FAB] =	sst s1  }
0xa: {  	[smem:$0x3FAC] =	sst s2  }
0xb: {  	[smem:$0x3FAD] =	sst s3  }
0xc: {  	[smem:$0x3FAE] =	sst s4  }
0xd: {  	[smem:$0x3FAF] =	sst s5  }
0xe: {  	[smem:$0x3FB0] =	sst s6  }
0xf: {  	[smem:$0x3FB1] =	sst s7  }
0x10: {  	[smem:$0x3FB2] =	sst s8  }
0x11: {  	[smem:$0x3FB3] =	sst s9;
	s0 =	simm.s32 @!p0 $0x0  }
0x12: {  	s1 =	sld [smem:$0x3F99];
	s0 =	simm.s32 @p0 $0x1  }
0x13: {  	[smem:$0x3FB4] =	sst s0;
	s0 =	simm.s32 @!p1 $0x0  }
0x14: {  	s2 =	sld [smem:$0x3F98];
	s0 =	simm.s32 @p1 $0x1  }
0x15: {  	[smem:$0x3FB5] =	sst s0;
	s0 =	simm.s32 @!p2 $0x0  }
0x16: {  	s3 =	sld [smem:$0x3FDB];
	s0 =	simm.s32 @p2 $0x1  }
0x17: {  	s4 =	simm.s32 $0x1BF5;
	[smem:$0x3FB7] =	sst s0  }
0x18: {  	s0 =	sld [smem:$0x3F9A];
	_ =	swait.ge [sflag:s4], $0x0  }
0x19: {  	s7 =	sld [smem:$0x3F9B]  }
0x1a: {  	s8 =	sadd.s32 $0xFFFFE003, lr  }
0x1b: {  	s9 =	sadd.s32 $0xFFFFFEF7, lr;
	s5 =	simm.s32 $0xFFFFFFFF;
	p2 =	slt.u32 s8, $0xFFFFF086  }
0x1c: {  	p1 =	slt.u32 s9, $0xF7A;
	s5 =	simm.s32 @!p2 $0x0  }
0x1d: {  	s5 =	simm.s32 @p1 $0x1;
	p0 =	seq.s32 s7, s2  }
0x1e: {  	s7 =	smul.u32 @!p0 $0xF7A, s2;
	p2 =	seq.s32 @!p0 s5, $0x0  }
0x1f: {  	s9 =	smul.u32 $0xF7A, s1;
	s8 =	simm.s32 @!p0 $0x1BF5;
	p2 =	por !p2, p0  }
0x20: {  	[sflag:s8] =	ssyncset.s32 @!p0 $0xFFFFF086;
	s6 =	sadd.s32 @!p0 s3, s7;
	s7 =	simm.s32 @!p0 $0x108  }
0x21: {  	s3 =	sadd.s32 s3, s9;
	s6 =	sadd.s32 @!p0 $0x88, s6;
	s7 =	simm.s32 @p2 $0x1082  }
0x22: {  	[simem:s7], [sflag:s8] =	dma.local @!p0 [hbm:s6], $0xF7A  }
0x23: {  	s9 =	sor.u32 $0xD0000000, s2;
	s6 =	simm.s32 $0x108;
	_ =	swait.ge @!p0 [sflag:s8], $0x0  }
0x24: {  	s3 =	sadd.s32 $0x88, s3;
	s6 =	simm.s32 @!p1 $0x1082;
	[sflag:s4] =	ssyncset.s32 $0xFFFFF086  }
0x25: {  	[simem:s6], [sflag:s4] =	dma.local [hbm:s3], $0xF7A  }
0x26: {  	[smem:$0x3F9B] =	sst s1;
	(tag) =	ssettag s2;
	_ =	strace s9  }
0x27: {  	s1 =	sld [smem:$0x3FAB]  }
0x28: {  	s2 =	sld [smem:$0x3FAC]  }
0x29: {  	s4 =	sld [smem:$0x3FAE]  }
0x2a: {  	p0 =	seq.s32 s5, $0x0;
	s5 =	sld [smem:$0x3FAF]  }
0x2b: {  	s6 =	sld [smem:$0x3FB0]  }
0x2c: {  	s7 =	sld [smem:$0x3FB1]  }
0x2d: {  	s3 =	simm.s32 $0x108;
	s8 =	sld [smem:$0x3FB2]  }
0x2e: {  	s3 =	simm.s32 @!p0 $0x1082;
	s9 =	sld [smem:$0x3FB3]  }
0x2f: {  	lr =	sadd.s32 s0, s3;
	s0 =	sld [smem:$0x3FAA]  }
0x30: {  	s3 =	sld [smem:$0x3FAD]  }
0x31: {  	[smem:$0x3FB6] =	sst s10  }
0x32: {  	s10 =	sld [smem:$0x3FB4];
	_ =	sdelay $0x3  }
0x33: {  	p0 =	seq.s32 s10, $0x1;
	s10 =	sld [smem:$0x3FB6];
	_ =	sdelay $0x3  }
0x34: {  	[smem:$0x3FB6] =	sst s10  }
0x35: {  	s10 =	sld [smem:$0x3FB5];
	_ =	sdelay $0x3  }
0x36: {  	p1 =	seq.s32 s10, $0x1;
	s10 =	sld [smem:$0x3FB6];
	_ =	sdelay $0x3  }
0x37: {  	[smem:$0x3FB6] =	sst s10  }
0x38: {  	s10 =	sld [smem:$0x3FB7]  }
0x39: {  	_ = 	snop;
	(pc) =	sbr.ind lr, $3  }
0x3a: {  	_ = 	snop  }
0x3b: {  	_ = 	snop  }
0x3c: {  	p2 =	seq.s32 s10, $0x1;
	s10 =	sld [smem:$0x3FB6]  }
0x3d: {  	_ =	shalt  }
0x3e: {  	_ =	shalt  }
0x3f: {  	_ =	shalt  }
0x40: {  	_ =	shalt  }
0x41: {  	_ =	shalt  }
0x42: {  	_ =	shalt  }
0x43: {  	_ =	shalt  }
0x44: {  	_ =	shalt  }
0x45: {  	_ =	shalt  }
0x46: {  	_ =	shalt  }
0x47: {  	_ =	shalt  }
0x48: {  	_ =	shalt  }
0x49: {  	_ =	shalt  }
0x4a: {  	_ =	shalt  }
0x4b: {  	_ =	shalt  }
0x4c: {  	_ =	shalt  }
0x4d: {  	_ =	shalt  }
0x4e: {  	_ =	shalt  }
0x4f: {  	_ =	shalt  }
0x50: {  	_ =	shalt  }
0x51: {  	_ =	shalt  }
0x52: {  	_ =	shalt  }
0x53: {  	_ =	shalt  }
0x54: {  	_ =	shalt  }
0x55: {  	_ =	shalt  }
0x56: {  	_ =	shalt  }
0x57: {  	_ =	shalt  }
0x58: {  	_ =	shalt  }
0x59: {  	_ =	shalt  }
0x5a: {  	_ =	shalt  }
0x5b: {  	_ =	shalt  }
0x5c: {  	_ =	shalt  }
0x5d: {  	_ =	shalt  }
0x5e: {  	_ =	shalt  }
0x5f: {  	_ =	shalt  }
0x60: {  	_ =	shalt  }
0x61: {  	_ =	shalt  }
0x62: {  	_ =	shalt  }
0x63: {  	_ =	shalt  }
0x64: {  	_ =	shalt  }
0x65: {  	_ =	shalt  }
0x66: {  	_ =	shalt  }
0x67: {  	_ =	shalt  }
0x68: {  	_ =	shalt  }
0x69: {  	_ =	shalt  }
0x6a: {  	_ =	shalt  }
0x6b: {  	_ =	shalt  }
0x6c: {  	_ =	shalt  }
0x6d: {  	_ =	shalt  }
0x6e: {  	_ =	shalt  }
0x6f: {  	_ =	shalt  }
0x70: {  	_ =	shalt  }
0x71: {  	_ =	shalt  }
0x72: {  	_ =	shalt  }
0x73: {  	_ =	shalt  }
0x74: {  	_ =	shalt  }
0x75: {  	_ =	shalt  }
0x76: {  	_ =	shalt  }
0x77: {  	_ =	shalt  }
0x78: {  	_ =	shalt  }
0x79: {  	_ =	shalt  }
0x7a: {  	_ =	shalt  }
0x7b: {  	_ =	shalt  }
0x7c: {  	_ =	shalt  }
0x7d: {  	_ =	shalt  }
0x7e: {  	_ =	shalt  }
0x7f: {  	_ =	shalt  }
0x80: {  	_ =	shalt  }
0x81: {  	_ =	shalt  }
0x82: {  	_ =	shalt  }
0x83: {  	_ =	shalt  }
0x84: {  	_ =	shalt  }
0x85: {  	_ =	shalt  }
0x86: {  	_ =	shalt  }
0x87: {  	_ =	shalt  }
.Lfunc_end0:
.L_simem_size_0:
called_computation.1_lowered:
.L_overlay_start_0:
0x88: {  	s2 =	sld [smem:$0x3FD9]  }
0x89: {  	s3 =	sld [smem:$0x3FFE];
	_ =	sdelay $0x1  }
0x8a: {  	s1 =	srdreg.scid  }
0x8b: {  	s0 =	sand.u32 $0x1, s1  }
0x8c: {  	s17 =	sshll.u32 s0, $0xA;
	s2 =	sadd.s32 s3, s2  }
0x8d: {  	s2 =	sadd.s32 s2, s17  }
0x8e: {  	[smem:$0x3FC2] =	sst s2  }
0x8f: {  	_ = 	snop  }
0x90: {  	s2 =	sld [smem:$0x3FD0];
	(tm) =	ssettm $0x1  }
0x91: {  	s18 =	sld [smem:$0x3FFB];
	_ =	sdelay $0x3  }
0x92: {  	_ =	strace s18  }
0x93: {  	s3 =	sld [smem:$0x3FFC];
	_ =	sdelay $0x3  }
0x94: {  	_ =	strace s3  }
0x95: {  	s3 =	sld [smem:$0x3FFD];
	_ =	sdelay $0x3  }
0x96: {  	_ =	strace s3  }
0x97: {  	_ =	strace $0x8FFFFFFF  }
0x98: {  	s19 =	sld [smem:$0x3FDB];
	_ =	sdelay $0x1  }
0x99: {  	s4 =	simm.s32 $_scs_section_size  }
0x9a: {  	s5 =	simm.s32 $_size__tile_overlayer_lowered;
	s6 =	simm.s32 $_tile_overlayer_lowered  }
0x9b: {  	s22 =	simm.s32 $0x1BFF;
	s21 =	sshll.u32 s6, $0x1;
	s3 =	sadd.s32 s4, s19  }
0x9c: {  	s7 =	simm.s32 $0x0;
	s20 =	sshll.u32 s5, $0x1;
	s5 =	sadd.s32 s21, s3  }
0x9d: {  	[timem:s7], [sflag:s22] =	dma.local [hbm:s5], s20  }
0x9e: {  	_ =	swait.ge [sflag:s22], s20  }
0x9f: {  	s4 =	ssub.s32 $0x0, s20;
	[sflag:s22] =	ssyncset.done $0x0  }
0xa0: {  	[sflag:s22] =	ssyncadd.s32 s4;
	_ =	sdelay $0x1  }
0xa1: {  	s23 =	simm.s32 $0x1B8B  }
0xa2: {  	_ =	swait.ge [sflag:s23], $0x1  }
0xa3: {  	[sflag:s23] =	ssyncset.done $0x0  }
0xa4: {  	s25 =	simm.s32 $0x1B8E;
	s24 =	sld [smem:$0x3FFE];
	[sflag:s23] =	ssyncadd.s32 $0xFFFFFFFF  }
0xa5: {  	s26 =	simm.s32 $execute0_lowered;
	[smem:$0x3FD2] =	sst s25  }
0xa6: {  	s5 =	sshll.u32 s26, $0x1;
	_ =	strace $0x80000049;
	[dreg:$0x1] =	wrdreg $0xFFFFFFFF  }
0xa7: {  	s28 =	simm.s32 $_size_execute0_lowered;
	s3 =	sadd.s32 s3, s5;
	[dreg:$0x0] =	wrdreg $0x0  }
0xa8: {  	s5 =	sshll.u32 s28, $0x1;
	[dreg:$0x2] =	wrdreg s3  }
0xa9: {  	[dreg:$0x3] =	wrdreg s5  }
0xaa: {  	[dreg:$0x4] =	wrdreg $0xC0  }
0xab: {  	_ =	task [dreg:s7], $0x5FFFF  }
0xac: {  	[dreg:$0x1] =	wrdreg $0xFFFFFFFF  }
0xad: {  	[dreg:$0x0] =	wrdreg $0x60  }
0xae: {  	[dreg:$0x2] =	wrdreg s24  }
0xaf: {  	[dreg:$0x3] =	wrdreg s2  }
0xb0: {  	[dreg:$0x4] =	wrdreg $0xB1000  }
0xb1: {  	[dreg:$0x5] =	wrdreg $0x9  }
0xb2: {  	_ =	task.clear_ibuf [dreg:s7], $0x6FFFF;
	_ =	strace $0x90000049  }
0xb3: {  	s29 =	simm.s32 $0x9;
	_ =	strace $0x8000004B  }
0xb4: {  	_ =	swait.ge [sflag:s29], $0x1  }
0xb5: {  	[sflag:s29] =	ssyncadd.s32 $0xFFFFFFFF  }
0xb6: {  	_ =	strace $0x9000004B  }
0xb7: {  	_ =	sfence  }
0xb8: {  	s30 =	sld [smem:$0x0];
	_ =	sdelay $0x2  }
0xb9: {  	s31 =	sshll.u32 s1, $0xD;
	s1 =	sshrl.u32 s1, $0x2  }
0xba: {  	s3 =	sand.u32 $0x4000, s31;
	s1 =	sadd.s32 s1, s30  }
0xbb: {  	s0 =	sor.u32 s3, s0;
	s1 =	sshll.u32 s1, $0x11  }
0xbc: {  	s0 =	sor.u32 s1, s0  }
0xbd: {  	s0 =	sadd.s32 $0x8F2B, s0  }
0xbe: {  	[sflag:s0] =	ssyncadd.remote.s32 $0x1  }
0xbf: {  	_ =	sfence.sel $0xFFFF  }
0xc0: {  	[dreg:$0x0] =	wrdreg $0xFFFFFFFF;
	(pc) =	sbr.abs _section_cstart, $3  }
0xc1: {  	[dreg:$0x1] =	wrdreg $0xFFFFFFFF  }
0xc2: {  	_ =	task.clear_ibuf [dreg:s7], $0x2FFFF;
	_ =	strace $0x9FFFFFFF  }
0xc3: {  	(tm) =	ssettm $0x7FFFFFFF  }
tec
execute0_lowered:
.L_overlay_start_1:
0x0: {  	(tag) =	ssettag $0x1  }
0x1: {  	s0 =	rddreg [dreg:$0x0]  }
0x2: {  	s1 =	rddreg [dreg:$0x1]  }
0x3: {  	s2 =	rddreg [dreg:$0x2]  }
0x4: {  	s3 =	simm.s32 $0x0;
	s4 =	srdreg.scid;
	s20 =	stileid.u32  }
0x5: {  	s14 =	simm.s32 $0x3;
	s15 =	simm.s32 $0x1400;
	s16 =	simm.s32 $0x80  }
0x6: {  	s17 =	simm.s32 $0x2900;
	s18 =	simm.s32 $0x6900;
	s19 =	simm.s32 $0x2800  }
0x7: {  	s23 =	simm.s32 $0x1;
	s24 =	simm.s32 $0x2;
	s28 =	simm.s32 $0x2600  }
0x8: {  	s29 =	simm.s32 $0x2680;
	s30 =	simm.s32 $0x10;
	s31 =	simm.s32 $0xA900  }
0x9: {  	s5 =	sand.u32 $0x1, s4;
	s9 =	smul.u32 $0x3E80, s20;
	s25 =	sshll.u32 s20, $0x1  }
0xa: {  	[smem:$0x7FF] =	sst s3;
	s10 =	smul.u32 $0x7D000, s20;
	p0 =	sgt.u32 s20, $0x9  }
0xb: {  	s6 =	smul.u32 $0x27100, s5;
	s4 =	sor.u32 s5, s25;
	_ =	strace $0x8000004A  }
0xc: {  	s5 =	ssub.s32 $0x2, s5;
	s7 =	smul.u32 $0x2710, s4;
	s4 =	sadd.s32 $0x2200, s0  }
0xd: {  	s8 =	sshrl.u32 s5, $0x1;
	s26 =	sshrl.u32 s10, $0x2;
	s6 =	sadd.s32 s9, s6  }
0xe: {  	s13 =	ssub.s32 s5, s8;
	s9 =	sadd.s32 s4, s9;
	s7 =	sshrl.u32 s7, $0x3  }
0xf: {  	s0 =	sadd.s32 s6, s0;
	s13 =	smax.u32 s13, $0x1;
	s5 =	sadd.s32 s1, s7  }
0x10: {  	s1 =	sadd.s32 s26, s2;
	s12 =	sadd.s32 $0x29400, s0;
	s0 =	sshll.u32 @!p0 s20, $0x6  }
0x11: {  	s20 =	simm.s32 $0x2880;
	s6 =	sadd.s32 $0x9C40, s5;
	s7 =	sadd.s32 $0x4E0, s5  }
0x12: {  	s8 =	sadd.s32 $0xA120, s5;
	s10 =	sadd.s32 $0x280, s5;
	s11 =	sadd.s32 $0x9EC0, s5  }
0x13: {  	s21 =	sor.u32 @!p0 $0x1C03, s0;
	s22 =	sshrl.u32 @!p0 s1, $0x3;
	s0 =	simm.s32 $0x0  }
.LBB2_1:
0x14: {  	[tilespmem:s3], [sflag:$0x3] =	stream.linear.gather [hbm4b:s5+s3], $0x1400, $0x38;
	[tilespmem:$0x1E980] =	vst v63  }
0x15: {  	_ =	swait.ge [sflag:s14], $0x1400  }
0x16: {  	[sflag:s14] =	ssyncset.done $0x0  }
0x17: {  	[sflag:s14] =	ssyncadd.s32 $0xFFFFEC00  }
0x18: {  	[tilespmem:s15], [sflag:$0x3] =	stream.linear.gather [hbm4b:s6+s3], $0x1400, $0x38;
	[tilespmem:$0x1E980] =	vst v63  }
0x19: {  	_ =	swait.ge [sflag:s14], $0x1400  }
0x1a: {  	[sflag:s14] =	ssyncset.done $0x0  }
0x1b: {  	[sflag:s14] =	ssyncadd.s32 $0xFFFFEC00  }
0x1c: {  	[tilespmem:s17], [sflag:$0x1] =	stream.indirect.gather [hbm4b:s4+s16], $0x80, s3, s16, $0xb8;
	[tilespmem:$0x1E980] =	vst v63  }
0x1d: {  	_ = 	snop  }
0x1e: {  	[tilespmem:s18], [sflag:$0x2] =	stream.indirect.gather [hbm4b:s4+s16], $0x80, s16, s16, $0xb8;
	[tilespmem:$0x1E980] =	vst v63  }
0x1f: {  	_ = 	snop  }
0x20: {  	[tilespmem:s19], [sflag:$0x3] =	stream.linear.gather [hbm4b:s7+s3], $0x10, $0x38;
	[tilespmem:$0x1E980] =	vst v63  }
0x21: {  	_ =	swait.ge [sflag:s14], $0x10  }
0x22: {  	[sflag:s14] =	ssyncset.done $0x0  }
0x23: {  	[sflag:s14] =	ssyncadd.s32 $0xFFFFFFF0  }
0x24: {  	[tilespmem:s20], [sflag:$0x3] =	stream.linear.gather [hbm4b:s8+s3], $0x10, $0x38;
	[tilespmem:$0x1E980] =	vst v63  }
0x25: {  	_ =	swait.ge [sflag:s14], $0x10  }
0x26: {  	[sflag:s14] =	ssyncset.done $0x0  }
0x27: {  	s1 =	simm.s32 @!p0 $0x3;
	[sflag:s14] =	ssyncadd.s32 $0xFFFFFFF0  }
0x28: {  	[spmem:s22], [sflag:s21] =	dma.local @!p0 [hbm:s9], $0x3E80  }
0x29: {  	_ =	swait.ge @!p0 [sflag:s1], $0x3E80  }
0x2a: {  	[sflag:s1] =	ssyncset.done @!p0 $0x0  }
0x2b: {  	[sflag:s1] =	ssyncadd.s32 @!p0 $0xFFFFC180  }
0x2c: {  	[bflag:$0x0] =	sbarrier.arrive $0xFFFF  }
0x2d: {  	_ =	swait.ge [sflag:s23], $0x4000  }
0x2e: {  	[sflag:s23] =	ssyncset.done $0x0  }
0x2f: {  	s26 =	simm.s32 $0x1400;
	[sflag:s23] =	ssyncadd.s32 $0xFFFFC000  }
0x30: {  	[spmem:s2] =	stream.indirect.scatter.add.f32 [tilespmem:s17], [sflag:$0x3], $0x80, s26, s16, $0xb8;
	[tilespmem:$0x1E980] =	vst v63  }
0x31: {  	_ =	swait.ge [sflag:s14], $0x4000  }
0x32: {  	[sflag:s14] =	ssyncset.done $0x0  }
0x33: {  	s25 =	simm.s32 $0x100;
	[sflag:s14] =	ssyncadd.s32 $0xFFFFC000  }
0x34: {  	[tilespmem:s17], [sflag:$0x1] =	stream.indirect.gather [hbm4b:s4+s16], $0x80, s25, s16, $0xb8;
	[tilespmem:$0x1E980] =	vst v63  }
0x35: {  	_ =	swait.ge [sflag:s24], $0x4000  }
0x36: {  	[sflag:s24] =	ssyncset.done $0x0  }
0x37: {  	s26 =	simm.s32 $0x1480;
	[sflag:s24] =	ssyncadd.s32 $0xFFFFC000  }
0x38: {  	[spmem:s2] =	stream.indirect.scatter.add.f32 [tilespmem:s18], [sflag:$0x3], $0x80, s26, s16, $0xb8;
	[tilespmem:$0x1E980] =	vst v63  }
0x39: {  	_ =	swait.ge [sflag:s14], $0x4000  }
0x3a: {  	[sflag:s14] =	ssyncset.done $0x0  }
0x3b: {  	s1 =	simm.s32 $0x400;
	s25 =	simm.s32 $0x180;
	[sflag:s14] =	ssyncadd.s32 $0xFFFFC000  }
.LBB2_2:
0x3c: {  	[tilespmem:s18], [sflag:$0x2] =	stream.indirect.gather [hbm4b:s4+s16], $0x80, s25, s16, $0xb8;
	[tilespmem:$0x1E980] =	vst v63  }
0x3d: {  	s25 =	smov.u32 s1  }
0x3e: {  	p1 =	sne.s32 s1, $0x4800;
	s1 =	sadd.s32 $0x400, s1;
	_ =	swait.ge [sflag:s23], $0x4000  }
0x3f: {  	s25 =	sshra.s32 s25, $0x2;
	[sflag:s23] =	ssyncset.done $0x0  }
0x40: {  	s26 =	sadd.s32 $0x1400, s25;
	[sflag:s23] =	ssyncadd.s32 $0xFFFFC000  }
0x41: {  	[spmem:s2] =	stream.indirect.scatter.add.f32 [tilespmem:s17], [sflag:$0x3], $0x80, s26, s16, $0xb8;
	[tilespmem:$0x1E980] =	vst v63  }
0x42: {  	_ =	swait.ge [sflag:s14], $0x4000  }
0x43: {  	[sflag:s14] =	ssyncset.done $0x0  }
0x44: {  	s26 =	sadd.s32 $0x100, s25;
	[sflag:s14] =	ssyncadd.s32 $0xFFFFC000  }
0x45: {  	[tilespmem:s17], [sflag:$0x1] =	stream.indirect.gather [hbm4b:s4+s16], $0x80, s26, s16, $0xb8;
	[tilespmem:$0x1E980] =	vst v63  }
0x46: {  	_ =	swait.ge [sflag:s24], $0x4000  }
0x47: {  	[sflag:s24] =	ssyncset.done $0x0  }
.Ltmp0:
0x48: {  	s26 =	sadd.s32 $0x1480, s25;
	[sflag:s24] =	ssyncadd.s32 $0xFFFFC000;
	(pc) =	sbr.rel @p1 .LBB2_2-.Ltmp0, $4  }
0x49: {  	[spmem:s2] =	stream.indirect.scatter.add.f32 [tilespmem:s18], [sflag:$0x3], $0x80, s26, s16, $0xb8;
	[tilespmem:$0x1E980] =	vst v63  }
0x4a: {  	_ =	swait.ge [sflag:s14], $0x4000  }
0x4b: {  	[sflag:s14] =	ssyncset.done $0x0  }
0x4c: {  	s25 =	sadd.s32 $0x180, s25;
	[sflag:s14] =	ssyncadd.s32 $0xFFFFC000  }
0x4d: {  	[tilespmem:s18], [sflag:$0x2] =	stream.indirect.gather [hbm4b:s4+s16], $0x80, s25, s16, $0xb8;
	[tilespmem:$0x1E980] =	vst v63  }
0x4e: {  	_ =	swait.ge [sflag:s23], $0x4000  }
0x4f: {  	[sflag:s23] =	ssyncset.done $0x0  }
0x50: {  	s1 =	simm.s32 $0x2700;
	[sflag:s23] =	ssyncadd.s32 $0xFFFFC000  }
0x51: {  	[spmem:s2] =	stream.indirect.scatter.add.f32 [tilespmem:s17], [sflag:$0x3], $0x80, s1, s16, $0xb8;
	[tilespmem:$0x1E980] =	vst v63  }
0x52: {  	_ =	swait.ge [sflag:s14], $0x4000  }
0x53: {  	[sflag:s14] =	ssyncset.done $0x0  }
0x54: {  	[sflag:s14] =	ssyncadd.s32 $0xFFFFC000  }
0x55: {  	_ =	swait.ge [sflag:s24], $0x4000  }
0x56: {  	[sflag:s24] =	ssyncset.done $0x0  }
0x57: {  	s26 =	simm.s32 $0x2780;
	[sflag:s24] =	ssyncadd.s32 $0xFFFFC000  }
0x58: {  	[spmem:s2] =	stream.indirect.scatter.add.f32 [tilespmem:s18], [sflag:$0x3], $0x80, s26, s16, $0xb8;
	[tilespmem:$0x1E980] =	vst v63  }
0x59: {  	_ =	swait.ge [sflag:s14], $0x4000  }
0x5a: {  	[sflag:s14] =	ssyncset.done $0x0  }
0x5b: {  	s25 =	simm.s32 $0x0;
	[sflag:s14] =	ssyncadd.s32 $0xFFFFC000  }
0x5c: {  	[tilespmem:s25], [sflag:$0x3] =	stream.linear.gather [hbm4b:s10+s25], $0x1300, $0x38;
	[tilespmem:$0x1E980] =	vst v63  }
0x5d: {  	_ =	swait.ge [sflag:s14], $0x1300  }
0x5e: {  	[sflag:s14] =	ssyncset.done $0x0  }
0x5f: {  	[sflag:s14] =	ssyncadd.s32 $0xFFFFED00  }
0x60: {  	[tilespmem:s15], [sflag:$0x3] =	stream.linear.gather [hbm4b:s11+s25], $0x1300, $0x38;
	[tilespmem:$0x1E980] =	vst v63  }
0x61: {  	_ =	swait.ge [sflag:s14], $0x1300  }
0x62: {  	[sflag:s14] =	ssyncset.done $0x0  }
0x63: {  	[sflag:s14] =	ssyncadd.s32 $0xFFFFED00  }
0x64: {  	[tilespmem:s17], [sflag:$0x1] =	stream.indirect.gather [hbm4b:s4+s16], $0x80, s25, s16, $0xb8;
	[tilespmem:$0x1E980] =	vst v63  }
0x65: {  	_ = 	snop  }
0x66: {  	[tilespmem:s18], [sflag:$0x2] =	stream.indirect.gather [hbm4b:s4+s16], $0x80, s16, s16, $0xb8;
	[tilespmem:$0x1E980] =	vst v63  }
0x67: {  	_ =	swait.ge [sflag:s23], $0x4000  }
0x68: {  	[sflag:s23] =	ssyncset.done $0x0  }
0x69: {  	s26 =	simm.s32 $0x1400;
	[sflag:s23] =	ssyncadd.s32 $0xFFFFC000  }
0x6a: {  	[spmem:s2] =	stream.indirect.scatter.add.f32 [tilespmem:s17], [sflag:$0x3], $0x80, s26, s16, $0xb8;
	[tilespmem:$0x1E980] =	vst v63  }
0x6b: {  	_ =	swait.ge [sflag:s14], $0x4000  }
0x6c: {  	[sflag:s14] =	ssyncset.done $0x0  }
0x6d: {  	s25 =	simm.s32 $0x100;
	[sflag:s14] =	ssyncadd.s32 $0xFFFFC000  }
0x6e: {  	[tilespmem:s17], [sflag:$0x1] =	stream.indirect.gather [hbm4b:s4+s16], $0x80, s25, s16, $0xb8;
	[tilespmem:$0x1E980] =	vst v63  }
0x6f: {  	_ =	swait.ge [sflag:s24], $0x4000  }
0x70: {  	[sflag:s24] =	ssyncset.done $0x0  }
0x71: {  	s26 =	simm.s32 $0x1480;
	[sflag:s24] =	ssyncadd.s32 $0xFFFFC000  }
0x72: {  	[spmem:s2] =	stream.indirect.scatter.add.f32 [tilespmem:s18], [sflag:$0x3], $0x80, s26, s16, $0xb8;
	[tilespmem:$0x1E980] =	vst v63  }
0x73: {  	_ =	swait.ge [sflag:s14], $0x4000  }
0x74: {  	[sflag:s14] =	ssyncset.done $0x0  }
0x75: {  	s1 =	simm.s32 $0x400;
	s25 =	simm.s32 $0x180;
	[sflag:s14] =	ssyncadd.s32 $0xFFFFC000  }
.LBB2_4:
0x76: {  	[tilespmem:s18], [sflag:$0x2] =	stream.indirect.gather [hbm4b:s4+s16], $0x80, s25, s16, $0xb8;
	[tilespmem:$0x1E980] =	vst v63  }
0x77: {  	s25 =	smov.u32 s1  }
0x78: {  	p1 =	sne.s32 s1, $0x4400;
	s1 =	sadd.s32 $0x400, s1;
	_ =	swait.ge [sflag:s23], $0x4000  }
0x79: {  	s25 =	sshra.s32 s25, $0x2;
	[sflag:s23] =	ssyncset.done $0x0  }
0x7a: {  	s26 =	sadd.s32 $0x1400, s25;
	[sflag:s23] =	ssyncadd.s32 $0xFFFFC000  }
0x7b: {  	[spmem:s2] =	stream.indirect.scatter.add.f32 [tilespmem:s17], [sflag:$0x3], $0x80, s26, s16, $0xb8;
	[tilespmem:$0x1E980] =	vst v63  }
0x7c: {  	_ =	swait.ge [sflag:s14], $0x4000  }
0x7d: {  	[sflag:s14] =	ssyncset.done $0x0  }
0x7e: {  	s26 =	sadd.s32 $0x100, s25;
	[sflag:s14] =	ssyncadd.s32 $0xFFFFC000  }
0x7f: {  	[tilespmem:s17], [sflag:$0x1] =	stream.indirect.gather [hbm4b:s4+s16], $0x80, s26, s16, $0xb8;
	[tilespmem:$0x1E980] =	vst v63  }
0x80: {  	_ =	swait.ge [sflag:s24], $0x4000  }
0x81: {  	[sflag:s24] =	ssyncset.done $0x0  }
.Ltmp1:
0x82: {  	s26 =	sadd.s32 $0x1480, s25;
	[sflag:s24] =	ssyncadd.s32 $0xFFFFC000;
	(pc) =	sbr.rel @p1 .LBB2_4-.Ltmp1, $4  }
0x83: {  	[spmem:s2] =	stream.indirect.scatter.add.f32 [tilespmem:s18], [sflag:$0x3], $0x80, s26, s16, $0xb8;
	[tilespmem:$0x1E980] =	vst v63  }
0x84: {  	_ =	swait.ge [sflag:s14], $0x4000  }
0x85: {  	[sflag:s14] =	ssyncset.done $0x0  }
0x86: {  	s25 =	sadd.s32 $0x180, s25;
	[sflag:s14] =	ssyncadd.s32 $0xFFFFC000  }
0x87: {  	[tilespmem:s18], [sflag:$0x2] =	stream.indirect.gather [hbm4b:s4+s16], $0x80, s25, s16, $0xb8;
	[tilespmem:$0x1E980] =	vst v63  }
0x88: {  	_ =	swait.ge [sflag:s23], $0x4000  }
0x89: {  	[sflag:s23] =	ssyncset.done $0x0  }
0x8a: {  	[sflag:s23] =	ssyncadd.s32 $0xFFFFC000  }
0x8b: {  	[spmem:s2] =	stream.indirect.scatter.add.f32 [tilespmem:s17], [sflag:$0x3], $0x80, s28, s16, $0xb8;
	[tilespmem:$0x1E980] =	vst v63  }
0x8c: {  	_ =	swait.ge [sflag:s14], $0x4000  }
0x8d: {  	[sflag:s14] =	ssyncset.done $0x0  }
0x8e: {  	[sflag:s14] =	ssyncadd.s32 $0xFFFFC000  }
0x8f: {  	_ =	swait.ge [sflag:s24], $0x4000  }
0x90: {  	[sflag:s24] =	ssyncset.done $0x0  }
0x91: {  	[sflag:s24] =	ssyncadd.s32 $0xFFFFC000  }
0x92: {  	[spmem:s2] =	stream.indirect.scatter.add.f32 [tilespmem:s18], [sflag:$0x3], $0x80, s29, s16, $0xb8;
	[tilespmem:$0x1E980] =	vst v63  }
0x93: {  	_ =	swait.ge [sflag:s14], $0x4000  }
0x94: {  	[sflag:s14] =	ssyncset.done $0x0  }
0x95: {  	[sflag:s14] =	ssyncadd.s32 $0xFFFFC000  }
0x96: {  	[tilespmem:s31], [sflag:$0x1] =	stream.indirect.gather [hbm4b:s4+s30], $0x80, s19, s30, $0xb8;
	[tilespmem:$0x1E980] =	vst v63  }
0x97: {  	_ =	swait.ge [sflag:s23], $0x800  }
0x98: {  	[sflag:s23] =	ssyncset.done $0x0  }
0x99: {  	[sflag:s23] =	ssyncadd.s32 $0xFFFFF800  }
0x9a: {  	[spmem:s2] =	stream.indirect.scatter.add.f32 [tilespmem:s31], [sflag:$0x3], $0x80, s20, s30, $0xb8;
	[tilespmem:$0x1E980] =	vst v63  }
0x9b: {  	_ =	swait.ge [sflag:s14], $0x800  }
0x9c: {  	s0 =	sadd.s32 $0x1, s0;
	[sflag:s14] =	ssyncset.done $0x0  }
0x9d: {  	p1 =	sne.s32 s0, s13;
	[sflag:s14] =	ssyncadd.s32 $0xFFFFF800  }
.Ltmp2:
0x9e: {  	s1 =	simm.s32 @!p0 $0x3;
	[bflag:$0x0] =	sbarrier.arrive $0xFFFF;
	(pc) =	sbr.rel @p1 .LBB2_1-.Ltmp2, $4  }
0x9f: {  	[hbm:s12], [sflag:s21] =	dma.local @!p0 [spmem:s22], $0x3E80  }
0xa0: {  	_ =	swait.ge @!p0 [sflag:s1], $0x3E80  }
0xa1: {  	[sflag:s1] =	ssyncset.done @!p0 $0x0  }
0xa2: {  	[sflag:s1] =	ssyncadd.s32 @!p0 $0xFFFFC180  }
0xa3: {  	_ =	sfence.sel $0x180000  }
0xa4: {  	[bflag:$0x0] =	sbarrier.arrive $0xFFFF  }
0xa5: {  	_ =	strace $0x9000004A  }
0xa6: {  	s0 =	stileid.u32;
	[bflag:$0x2] =	sbarrier.arrive $0xFFFF  }
0xa7: {  	p0 =	sne.s32 s0, $0x0;
	s0 =	rddreg [dreg:$0x3]  }
0xa8: {  	s0 =	sadd.s32 @!p0 $0x100000, s0  }
0xa9: {  	[sflag:s0] =	ssyncadd.tile.s32 @!p0 $0x1;
	_ =	shalt  }
.Lfunc_end2:
_tile_overlayer_lowered:
.L_overlay_start_2:
0xaa: {  	(tag) =	ssettag $0x2  }
0xab: {  	s0 =	rddreg [dreg:$0x0];
	s2 =	stileid.u32  }
0xac: {  	s1 =	rddreg [dreg:$0x1];
	p0 =	sne.s32 s2, $0x0  }
0xad: {  	s3 =	rddreg [dreg:$0x2];
	[bflag:$0x3] =	sbarrier.arrive $0xFFFF;
	s2 =	simm.s32 @!p0 $0x1C03  }
0xae: {  	[timem:s3], [sflag:s2] =	dma.local @!p0 [hbm:s0], s1  }
0xaf: {  	s0 =	simm.s32 @!p0 $0x3  }
0xb0: {  	_ =	swait.ge @!p0 [sflag:s0], s1  }
0xb1: {  	s1 =	ssub.s32 @!p0 $0x0, s1;
	[sflag:s0] =	ssyncset.done @!p0 $0x0  }
0xb2: {  	[sflag:s0] =	ssyncadd.s32 @!p0 s1  }
0xb3: {  	[bflag:$0x3] =	sbarrier.arrive $0xFFFF  }
0xb4: {  	_ =	shalt  }

// kernel: kernel.14.cloned.1.call-start
scs
__scs_entry_jumppad:
0x0: {  	(pc) =	sbr.rel $0x88, $3  }
0x1: {  	(tag) =	ssettag $0x0;
	lr =	simm.s32 $0x1  }
0x2: {  	[smem:$0x3F9B] =	sst lr;
	_ =	strace $0xD0000000  }
0x3: {  	_ = 	snop  }
0x4: {  	_ = 	snop  }
0x5: {  	_ = 	snop  }
0x6: {  	_ = 	snop  }
0x7: {  	_ = 	snop  }
__scs_overlays_trampoline_lowered:
0x8: {  	[smem:$0x3FAA] =	sst s0  }
0x9: {  	[smem:$0x3FAB] =	sst s1  }
0xa: {  	[smem:$0x3FAC] =	sst s2  }
0xb: {  	[smem:$0x3FAD] =	sst s3  }
0xc: {  	[smem:$0x3FAE] =	sst s4  }
0xd: {  	[smem:$0x3FAF] =	sst s5  }
0xe: {  	[smem:$0x3FB0] =	sst s6  }
0xf: {  	[smem:$0x3FB1] =	sst s7  }
0x10: {  	[smem:$0x3FB2] =	sst s8  }
0x11: {  	[smem:$0x3FB3] =	sst s9;
	s0 =	simm.s32 @!p0 $0x0  }
0x12: {  	s1 =	sld [smem:$0x3F99];
	s0 =	simm.s32 @p0 $0x1  }
0x13: {  	[smem:$0x3FB4] =	sst s0;
	s0 =	simm.s32 @!p1 $0x0  }
0x14: {  	s2 =	sld [smem:$0x3F98];
	s0 =	simm.s32 @p1 $0x1  }
0x15: {  	[smem:$0x3FB5] =	sst s0;
	s0 =	simm.s32 @!p2 $0x0  }
0x16: {  	s3 =	sld [smem:$0x3FDB];
	s0 =	simm.s32 @p2 $0x1  }
0x17: {  	s4 =	simm.s32 $0x1BF5;
	[smem:$0x3FB7] =	sst s0  }
0x18: {  	s0 =	sld [smem:$0x3F9A];
	_ =	swait.ge [sflag:s4], $0x0  }
0x19: {  	s7 =	sld [smem:$0x3F9B]  }
0x1a: {  	s8 =	sadd.s32 $0xFFFFE003, lr  }
0x1b: {  	s9 =	sadd.s32 $0xFFFFFEF7, lr;
	s5 =	simm.s32 $0xFFFFFFFF;
	p2 =	slt.u32 s8, $0xFFFFF086  }
0x1c: {  	p1 =	slt.u32 s9, $0xF7A;
	s5 =	simm.s32 @!p2 $0x0  }
0x1d: {  	s5 =	simm.s32 @p1 $0x1;
	p0 =	seq.s32 s7, s2  }
0x1e: {  	s7 =	smul.u32 @!p0 $0xF7A, s2;
	p2 =	seq.s32 @!p0 s5, $0x0  }
0x1f: {  	s9 =	smul.u32 $0xF7A, s1;
	s8 =	simm.s32 @!p0 $0x1BF5;
	p2 =	por !p2, p0  }
0x20: {  	[sflag:s8] =	ssyncset.s32 @!p0 $0xFFFFF086;
	s6 =	sadd.s32 @!p0 s3, s7;
	s7 =	simm.s32 @!p0 $0x108  }
0x21: {  	s3 =	sadd.s32 s3, s9;
	s6 =	sadd.s32 @!p0 $0x88, s6;
	s7 =	simm.s32 @p2 $0x1082  }
0x22: {  	[simem:s7], [sflag:s8] =	dma.local @!p0 [hbm:s6], $0xF7A  }
0x23: {  	s9 =	sor.u32 $0xD0000000, s2;
	s6 =	simm.s32 $0x108;
	_ =	swait.ge @!p0 [sflag:s8], $0x0  }
0x24: {  	s3 =	sadd.s32 $0x88, s3;
	s6 =	simm.s32 @!p1 $0x1082;
	[sflag:s4] =	ssyncset.s32 $0xFFFFF086  }
0x25: {  	[simem:s6], [sflag:s4] =	dma.local [hbm:s3], $0xF7A  }
0x26: {  	[smem:$0x3F9B] =	sst s1;
	(tag) =	ssettag s2;
	_ =	strace s9  }
0x27: {  	s1 =	sld [smem:$0x3FAB]  }
0x28: {  	s2 =	sld [smem:$0x3FAC]  }
0x29: {  	s4 =	sld [smem:$0x3FAE]  }
0x2a: {  	p0 =	seq.s32 s5, $0x0;
	s5 =	sld [smem:$0x3FAF]  }
0x2b: {  	s6 =	sld [smem:$0x3FB0]  }
0x2c: {  	s7 =	sld [smem:$0x3FB1]  }
0x2d: {  	s3 =	simm.s32 $0x108;
	s8 =	sld [smem:$0x3FB2]  }
0x2e: {  	s3 =	simm.s32 @!p0 $0x1082;
	s9 =	sld [smem:$0x3FB3]  }
0x2f: {  	lr =	sadd.s32 s0, s3;
	s0 =	sld [smem:$0x3FAA]  }
0x30: {  	s3 =	sld [smem:$0x3FAD]  }
0x31: {  	[smem:$0x3FB6] =	sst s10  }
0x32: {  	s10 =	sld [smem:$0x3FB4];
	_ =	sdelay $0x3  }
0x33: {  	p0 =	seq.s32 s10, $0x1;
	s10 =	sld [smem:$0x3FB6];
	_ =	sdelay $0x3  }
0x34: {  	[smem:$0x3FB6] =	sst s10  }
0x35: {  	s10 =	sld [smem:$0x3FB5];
	_ =	sdelay $0x3  }
0x36: {  	p1 =	seq.s32 s10, $0x1;
	s10 =	sld [smem:$0x3FB6];
	_ =	sdelay $0x3  }
0x37: {  	[smem:$0x3FB6] =	sst s10  }
0x38: {  	s10 =	sld [smem:$0x3FB7]  }
0x39: {  	_ = 	snop;
	(pc) =	sbr.ind lr, $3  }
0x3a: {  	_ = 	snop  }
0x3b: {  	_ = 	snop  }
0x3c: {  	p2 =	seq.s32 s10, $0x1;
	s10 =	sld [smem:$0x3FB6]  }
0x3d: {  	_ =	shalt  }
0x3e: {  	_ =	shalt  }
0x3f: {  	_ =	shalt  }
0x40: {  	_ =	shalt  }
0x41: {  	_ =	shalt  }
0x42: {  	_ =	shalt  }
0x43: {  	_ =	shalt  }
0x44: {  	_ =	shalt  }
0x45: {  	_ =	shalt  }
0x46: {  	_ =	shalt  }
0x47: {  	_ =	shalt  }
0x48: {  	_ =	shalt  }
0x49: {  	_ =	shalt  }
0x4a: {  	_ =	shalt  }
0x4b: {  	_ =	shalt  }
0x4c: {  	_ =	shalt  }
0x4d: {  	_ =	shalt  }
0x4e: {  	_ =	shalt  }
0x4f: {  	_ =	shalt  }
0x50: {  	_ =	shalt  }
0x51: {  	_ =	shalt  }
0x52: {  	_ =	shalt  }
0x53: {  	_ =	shalt  }
0x54: {  	_ =	shalt  }
0x55: {  	_ =	shalt  }
0x56: {  	_ =	shalt  }
0x57: {  	_ =	shalt  }
0x58: {  	_ =	shalt  }
0x59: {  	_ =	shalt  }
0x5a: {  	_ =	shalt  }
0x5b: {  	_ =	shalt  }
0x5c: {  	_ =	shalt  }
0x5d: {  	_ =	shalt  }
0x5e: {  	_ =	shalt  }
0x5f: {  	_ =	shalt  }
0x60: {  	_ =	shalt  }
0x61: {  	_ =	shalt  }
0x62: {  	_ =	shalt  }
0x63: {  	_ =	shalt  }
0x64: {  	_ =	shalt  }
0x65: {  	_ =	shalt  }
0x66: {  	_ =	shalt  }
0x67: {  	_ =	shalt  }
0x68: {  	_ =	shalt  }
0x69: {  	_ =	shalt  }
0x6a: {  	_ =	shalt  }
0x6b: {  	_ =	shalt  }
0x6c: {  	_ =	shalt  }
0x6d: {  	_ =	shalt  }
0x6e: {  	_ =	shalt  }
0x6f: {  	_ =	shalt  }
0x70: {  	_ =	shalt  }
0x71: {  	_ =	shalt  }
0x72: {  	_ =	shalt  }
0x73: {  	_ =	shalt  }
0x74: {  	_ =	shalt  }
0x75: {  	_ =	shalt  }
0x76: {  	_ =	shalt  }
0x77: {  	_ =	shalt  }
0x78: {  	_ =	shalt  }
0x79: {  	_ =	shalt  }
0x7a: {  	_ =	shalt  }
0x7b: {  	_ =	shalt  }
0x7c: {  	_ =	shalt  }
0x7d: {  	_ =	shalt  }
0x7e: {  	_ =	shalt  }
0x7f: {  	_ =	shalt  }
0x80: {  	_ =	shalt  }
0x81: {  	_ =	shalt  }
0x82: {  	_ =	shalt  }
0x83: {  	_ =	shalt  }
0x84: {  	_ =	shalt  }
0x85: {  	_ =	shalt  }
0x86: {  	_ =	shalt  }
0x87: {  	_ =	shalt  }
.Lfunc_end0:
.L_simem_size_0:
called_computation.2_lowered:
.L_overlay_start_0:
0x88: {  	s2 =	sld [smem:$0x3FD9]  }
0x89: {  	s3 =	sld [smem:$0x3FFE];
	_ =	sdelay $0x1  }
0x8a: {  	s1 =	srdreg.scid  }
0x8b: {  	s0 =	sand.u32 $0x1, s1  }
0x8c: {  	s17 =	sshll.u32 s0, $0xA;
	s2 =	sadd.s32 s3, s2  }
0x8d: {  	s2 =	sadd.s32 s2, s17  }
0x8e: {  	[smem:$0x3FC2] =	sst s2  }
0x8f: {  	_ = 	snop  }
0x90: {  	s2 =	sld [smem:$0x3FD0];
	(tm) =	ssettm $0x1  }
0x91: {  	s18 =	sld [smem:$0x3FFB];
	_ =	sdelay $0x3  }
0x92: {  	_ =	strace s18  }
0x93: {  	s3 =	sld [smem:$0x3FFC];
	_ =	sdelay $0x3  }
0x94: {  	_ =	strace s3  }
0x95: {  	s3 =	sld [smem:$0x3FFD];
	_ =	sdelay $0x3  }
0x96: {  	_ =	strace s3  }
0x97: {  	_ =	strace $0x8FFFFFFF  }
0x98: {  	s19 =	sld [smem:$0x3FDB];
	_ =	sdelay $0x1  }
0x99: {  	s4 =	simm.s32 $_scs_section_size  }
0x9a: {  	s5 =	simm.s32 $_size__tile_overlayer_lowered;
	s6 =	simm.s32 $_tile_overlayer_lowered  }
0x9b: {  	s22 =	simm.s32 $0x1BFF;
	s21 =	sshll.u32 s6, $0x1;
	s3 =	sadd.s32 s4, s19  }
0x9c: {  	s7 =	simm.s32 $0x0;
	s20 =	sshll.u32 s5, $0x1;
	s5 =	sadd.s32 s21, s3  }
0x9d: {  	[timem:s7], [sflag:s22] =	dma.local [hbm:s5], s20  }
0x9e: {  	_ =	swait.ge [sflag:s22], s20  }
0x9f: {  	s4 =	ssub.s32 $0x0, s20;
	[sflag:s22] =	ssyncset.done $0x0  }
0xa0: {  	[sflag:s22] =	ssyncadd.s32 s4;
	_ =	sdelay $0x1  }
0xa1: {  	s23 =	simm.s32 $0x1B8B  }
0xa2: {  	_ =	swait.ge [sflag:s23], $0x1  }
0xa3: {  	[sflag:s23] =	ssyncset.done $0x0  }
0xa4: {  	s25 =	simm.s32 $0x1B8E;
	s24 =	sld [smem:$0x3FFE];
	[sflag:s23] =	ssyncadd.s32 $0xFFFFFFFF  }
0xa5: {  	s26 =	simm.s32 $execute0_lowered;
	[smem:$0x3FD2] =	sst s25  }
0xa6: {  	s5 =	sshll.u32 s26, $0x1;
	_ =	strace $0x8000004C;
	[dreg:$0x1] =	wrdreg $0xFFFFFFFF  }
0xa7: {  	s28 =	simm.s32 $_size_execute0_lowered;
	s3 =	sadd.s32 s3, s5;
	[dreg:$0x0] =	wrdreg $0x0  }
0xa8: {  	s5 =	sshll.u32 s28, $0x1;
	[dreg:$0x2] =	wrdreg s3  }
0xa9: {  	[dreg:$0x3] =	wrdreg s5  }
0xaa: {  	[dreg:$0x4] =	wrdreg $0xC0  }
0xab: {  	_ =	task [dreg:s7], $0x5FFFF  }
0xac: {  	[dreg:$0x1] =	wrdreg $0xFFFFFFFF  }
0xad: {  	[dreg:$0x0] =	wrdreg $0x60  }
0xae: {  	[dreg:$0x2] =	wrdreg s24  }
0xaf: {  	[dreg:$0x3] =	wrdreg s2  }
0xb0: {  	[dreg:$0x4] =	wrdreg $0xB2200  }
0xb1: {  	[dreg:$0x5] =	wrdreg $0x9  }
0xb2: {  	_ =	task.clear_ibuf [dreg:s7], $0x6FFFF;
	_ =	strace $0x9000004C  }
0xb3: {  	s29 =	simm.s32 $0x9;
	_ =	strace $0x8000004E  }
0xb4: {  	_ =	swait.ge [sflag:s29], $0x1  }
0xb5: {  	[sflag:s29] =	ssyncadd.s32 $0xFFFFFFFF  }
0xb6: {  	_ =	strace $0x9000004E  }
0xb7: {  	_ =	sfence  }
0xb8: {  	s30 =	sld [smem:$0x0];
	_ =	sdelay $0x2  }
0xb9: {  	s31 =	sshll.u32 s1, $0xD;
	s1 =	sshrl.u32 s1, $0x2  }
0xba: {  	s3 =	sand.u32 $0x4000, s31;
	s1 =	sadd.s32 s1, s30  }
0xbb: {  	s0 =	sor.u32 s3, s0;
	s1 =	sshll.u32 s1, $0x11  }
0xbc: {  	s0 =	sor.u32 s1, s0  }
0xbd: {  	s0 =	sadd.s32 $0x8F2B, s0  }
0xbe: {  	[sflag:s0] =	ssyncadd.remote.s32 $0x1  }
0xbf: {  	_ =	sfence.sel $0xFFFF  }
0xc0: {  	[dreg:$0x0] =	wrdreg $0xFFFFFFFF;
	(pc) =	sbr.abs _section_cstart, $3  }
0xc1: {  	[dreg:$0x1] =	wrdreg $0xFFFFFFFF  }
0xc2: {  	_ =	task.clear_ibuf [dreg:s7], $0x2FFFF;
	_ =	strace $0x9FFFFFFF  }
0xc3: {  	(tm) =	ssettm $0x7FFFFFFF  }
tec
execute0_lowered:
.L_overlay_start_1:
0x0: {  	(tag) =	ssettag $0x1  }
0x1: {  	s0 =	rddreg [dreg:$0x0]  }
0x2: {  	s1 =	rddreg [dreg:$0x1]  }
0x3: {  	s2 =	rddreg [dreg:$0x2]  }
0x4: {  	s3 =	srdreg.scid;
	s17 =	stileid.u32;
	s12 =	simm.s32 $0x4  }
0x5: {  	s14 =	simm.s32 $0x80;
	s15 =	simm.s32 $0x4E20;
	s16 =	simm.s32 $0x6E20  }
0x6: {  	s18 =	simm.s32 $0x8E20;
	s19 =	simm.s32 $0x4E00;
	s20 =	simm.s32 $0x4E10  }
0x7: {  	s23 =	simm.s32 $0x1;
	s24 =	simm.s32 $0x2;
	s29 =	simm.s32 $0x4D00  }
0x8: {  	s30 =	simm.s32 $0x4D80;
	s31 =	simm.s32 $0x10;
	s4 =	smul.u32 $0x1F40, s17  }
0x9: {  	s5 =	sand.u32 $0x1, s3;
	s3 =	simm.s32 $0x0;
	s9 =	smul.u32 $0xFA00, s17  }
0xa: {  	s7 =	sshll.u32 s17, $0x1;
	s28 =	smul.u32 $0x3E800, s17;
	p0 =	sgt.u32 s17, $0x9  }
0xb: {  	s6 =	smul.u32 $0x13880, s5;
	[smem:$0x7FF] =	sst s3;
	s7 =	sor.u32 s5, s7  }
0xc: {  	s5 =	ssub.s32 $0x2, s5;
	_ =	strace $0x8000004D;
	s7 =	smul.u32 $0x2710, s7  }
0xd: {  	s26 =	sshrl.u32 s5, $0x1;
	s13 =	sadd.s32 s9, s2;
	s9 =	sshrl.u32 s9, $0x3  }
0xe: {  	s6 =	sadd.s32 s4, s6;
	s4 =	sadd.s32 $0x2200, s0;
	s11 =	ssub.s32 s5, s26  }
0xf: {  	s22 =	sshrl.u32 @!p0 s13, $0x3;
	s26 =	simm.s32 $0x3;
	s0 =	sadd.s32 s6, s0  }
0x10: {  	s7 =	sshrl.u32 s7, $0x3;
	s9 =	sadd.s32 s4, s9;
	s11 =	smax.u32 s11, $0x1  }
0x11: {  	s5 =	sadd.s32 s1, s7;
	s1 =	sshrl.u32 s28, $0x2;
	s10 =	sadd.s32 $0x15C00, s0  }
0x12: {  	s6 =	sadd.s32 $0x9C40, s5;
	s0 =	sadd.s32 s1, s2;
	s1 =	sshll.u32 @!p0 s17, $0x6  }
0x13: {  	s7 =	sadd.s32 $0x4E0, s5;
	s8 =	sadd.s32 $0xA120, s5;
	s21 =	sor.u32 @!p0 $0x1C04, s1  }
0x14: {  	s25 =	sshrl.u32 @!p0 s0, $0x3;
	s0 =	simm.s32 $0xAE20;
	s1 =	simm.s32 $0x0  }
.LBB2_1:
0x15: {  	[tilespmem:s3], [sflag:$0x4] =	stream.linear.gather [hbm4b:s5+s3], $0x2700, $0x38;
	[tilespmem:$0x14E60] =	vst v63  }
0x16: {  	_ =	swait.ge [sflag:s12], $0x2700  }
0x17: {  	[sflag:s12] =	ssyncset.done $0x0  }
0x18: {  	s13 =	simm.s32 $0x2700;
	[sflag:s12] =	ssyncadd.s32 $0xFFFFD900  }
0x19: {  	[tilespmem:s13], [sflag:$0x4] =	stream.linear.gather [hbm4b:s6+s3], $0x2700, $0x38;
	[tilespmem:$0x14E60] =	vst v63  }
0x1a: {  	_ =	swait.ge [sflag:s12], $0x2700  }
0x1b: {  	[sflag:s12] =	ssyncset.done $0x0  }
0x1c: {  	[sflag:s12] =	ssyncadd.s32 $0xFFFFD900  }
0x1d: {  	[tilespmem:s15], [sflag:$0x1] =	stream.indirect.gather [hbm4b:s4+s14], $0x40, s3, s14, $0xb8;
	[tilespmem:$0x14E60] =	vst v63  }
0x1e: {  	_ = 	snop  }
0x1f: {  	[tilespmem:s16], [sflag:$0x2] =	stream.indirect.gather [hbm4b:s4+s14], $0x40, s14, s14, $0xb8;
	[tilespmem:$0x14E60] =	vst v63  }
0x20: {  	s17 =	simm.s32 $0x100  }
0x21: {  	[tilespmem:s18], [sflag:$0x3] =	stream.indirect.gather [hbm4b:s4+s14], $0x40, s17, s14, $0xb8;
	[tilespmem:$0x14E60] =	vst v63  }
0x22: {  	_ = 	snop  }
0x23: {  	[tilespmem:s19], [sflag:$0x4] =	stream.linear.gather [hbm4b:s7+s3], $0x10, $0x38;
	[tilespmem:$0x14E60] =	vst v63  }
0x24: {  	_ =	swait.ge [sflag:s12], $0x10  }
0x25: {  	[sflag:s12] =	ssyncset.done $0x0  }
0x26: {  	[sflag:s12] =	ssyncadd.s32 $0xFFFFFFF0  }
0x27: {  	[tilespmem:s20], [sflag:$0x4] =	stream.linear.gather [hbm4b:s8+s3], $0x10, $0x38;
	[tilespmem:$0x14E60] =	vst v63  }
0x28: {  	_ =	swait.ge [sflag:s12], $0x10  }
0x29: {  	[sflag:s12] =	ssyncset.done $0x0  }
0x2a: {  	s13 =	simm.s32 @!p0 $0x4;
	[sflag:s12] =	ssyncadd.s32 $0xFFFFFFF0  }
0x2b: {  	[spmem:s22], [sflag:s21] =	dma.local @!p0 [hbm:s9], $0x1F40  }
0x2c: {  	_ =	swait.ge @!p0 [sflag:s13], $0x1F40  }
0x2d: {  	[sflag:s13] =	ssyncset.done @!p0 $0x0  }
0x2e: {  	[sflag:s13] =	ssyncadd.s32 @!p0 $0xFFFFE0C0  }
0x2f: {  	[bflag:$0x0] =	sbarrier.arrive $0xFFFF  }
0x30: {  	_ =	swait.ge [sflag:s23], $0x2000  }
0x31: {  	[sflag:s23] =	ssyncset.done $0x0  }
0x32: {  	s28 =	simm.s32 $0x2700;
	[sflag:s23] =	ssyncadd.s32 $0xFFFFE000  }
0x33: {  	[spmem:s2] =	stream.indirect.scatter.add.f32 [tilespmem:s15], [sflag:$0x4], $0x40, s28, s14, $0xb8;
	[tilespmem:$0x14E60] =	vst v63  }
0x34: {  	_ =	swait.ge [sflag:s12], $0x2000  }
0x35: {  	[sflag:s12] =	ssyncset.done $0x0  }
0x36: {  	s17 =	simm.s32 $0x180;
	[sflag:s12] =	ssyncadd.s32 $0xFFFFE000  }
0x37: {  	[tilespmem:s15], [sflag:$0x1] =	stream.indirect.gather [hbm4b:s4+s14], $0x40, s17, s14, $0xb8;
	[tilespmem:$0x14E60] =	vst v63  }
0x38: {  	_ =	swait.ge [sflag:s24], $0x2000  }
0x39: {  	[sflag:s24] =	ssyncset.done $0x0  }
0x3a: {  	s28 =	simm.s32 $0x2780;
	[sflag:s24] =	ssyncadd.s32 $0xFFFFE000  }
0x3b: {  	[spmem:s2] =	stream.indirect.scatter.add.f32 [tilespmem:s16], [sflag:$0x4], $0x40, s28, s14, $0xb8;
	[tilespmem:$0x14E60] =	vst v63  }
0x3c: {  	_ =	swait.ge [sflag:s12], $0x2000  }
0x3d: {  	[sflag:s12] =	ssyncset.done $0x0  }
0x3e: {  	s17 =	simm.s32 $0x200;
	[sflag:s12] =	ssyncadd.s32 $0xFFFFE000  }
0x3f: {  	[tilespmem:s16], [sflag:$0x2] =	stream.indirect.gather [hbm4b:s4+s14], $0x40, s17, s14, $0xb8;
	[tilespmem:$0x14E60] =	vst v63  }
0x40: {  	_ =	swait.ge [sflag:s26], $0x2000  }
0x41: {  	[sflag:s26] =	ssyncset.done $0x0  }
0x42: {  	s28 =	simm.s32 $0x2800;
	[sflag:s26] =	ssyncadd.s32 $0xFFFFE000  }
0x43: {  	[spmem:s2] =	stream.indirect.scatter.add.f32 [tilespmem:s18], [sflag:$0x4], $0x40, s28, s14, $0xb8;
	[tilespmem:$0x14E60] =	vst v63  }
0x44: {  	_ =	swait.ge [sflag:s12], $0x2000  }
0x45: {  	[sflag:s12] =	ssyncset.done $0x0  }
0x46: {  	s13 =	simm.s32 $0x600;
	s17 =	simm.s32 $0x280;
	[sflag:s12] =	ssyncadd.s32 $0xFFFFE000  }
.LBB2_2:
0x47: {  	[tilespmem:s18], [sflag:$0x3] =	stream.indirect.gather [hbm4b:s4+s14], $0x40, s17, s14, $0xb8;
	[tilespmem:$0x14E60] =	vst v63  }
0x48: {  	s17 =	smov.u32 s13  }
0x49: {  	p1 =	sne.s32 s13, $0x9000;
	s13 =	sadd.s32 $0x600, s13;
	_ =	swait.ge [sflag:s23], $0x2000  }
0x4a: {  	s17 =	sshra.s32 s17, $0x2;
	[sflag:s23] =	ssyncset.done $0x0  }
0x4b: {  	s28 =	sadd.s32 $0x2700, s17;
	[sflag:s23] =	ssyncadd.s32 $0xFFFFE000  }
0x4c: {  	[spmem:s2] =	stream.indirect.scatter.add.f32 [tilespmem:s15], [sflag:$0x4], $0x40, s28, s14, $0xb8;
	[tilespmem:$0x14E60] =	vst v63  }
0x4d: {  	_ =	swait.ge [sflag:s12], $0x2000  }
0x4e: {  	[sflag:s12] =	ssyncset.done $0x0  }
0x4f: {  	s28 =	sadd.s32 $0x180, s17;
	[sflag:s12] =	ssyncadd.s32 $0xFFFFE000  }
0x50: {  	[tilespmem:s15], [sflag:$0x1] =	stream.indirect.gather [hbm4b:s4+s14], $0x40, s28, s14, $0xb8;
	[tilespmem:$0x14E60] =	vst v63  }
0x51: {  	_ =	swait.ge [sflag:s24], $0x2000  }
0x52: {  	[sflag:s24] =	ssyncset.done $0x0  }
0x53: {  	s28 =	sadd.s32 $0x2780, s17;
	[sflag:s24] =	ssyncadd.s32 $0xFFFFE000  }
0x54: {  	[spmem:s2] =	stream.indirect.scatter.add.f32 [tilespmem:s16], [sflag:$0x4], $0x40, s28, s14, $0xb8;
	[tilespmem:$0x14E60] =	vst v63  }
0x55: {  	_ =	swait.ge [sflag:s12], $0x2000  }
0x56: {  	[sflag:s12] =	ssyncset.done $0x0  }
0x57: {  	s28 =	sadd.s32 $0x200, s17;
	[sflag:s12] =	ssyncadd.s32 $0xFFFFE000  }
0x58: {  	[tilespmem:s16], [sflag:$0x2] =	stream.indirect.gather [hbm4b:s4+s14], $0x40, s28, s14, $0xb8;
	[tilespmem:$0x14E60] =	vst v63  }
0x59: {  	_ =	swait.ge [sflag:s26], $0x2000  }
0x5a: {  	[sflag:s26] =	ssyncset.done $0x0  }
.Ltmp0:
0x5b: {  	s28 =	sadd.s32 $0x2800, s17;
	[sflag:s26] =	ssyncadd.s32 $0xFFFFE000;
	(pc) =	sbr.rel @p1 .LBB2_2-.Ltmp0, $4  }
0x5c: {  	[spmem:s2] =	stream.indirect.scatter.add.f32 [tilespmem:s18], [sflag:$0x4], $0x40, s28, s14, $0xb8;
	[tilespmem:$0x14E60] =	vst v63  }
0x5d: {  	_ =	swait.ge [sflag:s12], $0x2000  }
0x5e: {  	[sflag:s12] =	ssyncset.done $0x0  }
0x5f: {  	s17 =	sadd.s32 $0x280, s17;
	[sflag:s12] =	ssyncadd.s32 $0xFFFFE000  }
0x60: {  	[tilespmem:s18], [sflag:$0x3] =	stream.indirect.gather [hbm4b:s4+s14], $0x40, s17, s14, $0xb8;
	[tilespmem:$0x14E60] =	vst v63  }
0x61: {  	_ =	swait.ge [sflag:s23], $0x2000  }
0x62: {  	[sflag:s23] =	ssyncset.done $0x0  }
0x63: {  	s13 =	simm.s32 $0x4C80;
	[sflag:s23] =	ssyncadd.s32 $0xFFFFE000  }
0x64: {  	[spmem:s2] =	stream.indirect.scatter.add.f32 [tilespmem:s15], [sflag:$0x4], $0x40, s13, s14, $0xb8;
	[tilespmem:$0x14E60] =	vst v63  }
0x65: {  	_ =	swait.ge [sflag:s12], $0x2000  }
0x66: {  	[sflag:s12] =	ssyncset.done $0x0  }
0x67: {  	[sflag:s12] =	ssyncadd.s32 $0xFFFFE000  }
0x68: {  	_ =	swait.ge [sflag:s24], $0x2000  }
0x69: {  	[sflag:s24] =	ssyncset.done $0x0  }
0x6a: {  	[sflag:s24] =	ssyncadd.s32 $0xFFFFE000  }
0x6b: {  	[spmem:s2] =	stream.indirect.scatter.add.f32 [tilespmem:s16], [sflag:$0x4], $0x40, s29, s14, $0xb8;
	[tilespmem:$0x14E60] =	vst v63  }
0x6c: {  	_ =	swait.ge [sflag:s12], $0x2000  }
0x6d: {  	[sflag:s12] =	ssyncset.done $0x0  }
0x6e: {  	[sflag:s12] =	ssyncadd.s32 $0xFFFFE000  }
0x6f: {  	_ =	swait.ge [sflag:s26], $0x2000  }
0x70: {  	[sflag:s26] =	ssyncset.done $0x0  }
0x71: {  	[sflag:s26] =	ssyncadd.s32 $0xFFFFE000  }
0x72: {  	[spmem:s2] =	stream.indirect.scatter.add.f32 [tilespmem:s18], [sflag:$0x4], $0x40, s30, s14, $0xb8;
	[tilespmem:$0x14E60] =	vst v63  }
0x73: {  	_ =	swait.ge [sflag:s12], $0x2000  }
0x74: {  	[sflag:s12] =	ssyncset.done $0x0  }
0x75: {  	[sflag:s12] =	ssyncadd.s32 $0xFFFFE000  }
0x76: {  	[tilespmem:s0], [sflag:$0x1] =	stream.indirect.gather [hbm4b:s4+s31], $0x40, s19, s31, $0xb8;
	[tilespmem:$0x14E60] =	vst v63  }
0x77: {  	_ =	swait.ge [sflag:s23], $0x400  }
0x78: {  	[sflag:s23] =	ssyncset.done $0x0  }
0x79: {  	[sflag:s23] =	ssyncadd.s32 $0xFFFFFC00  }
0x7a: {  	[spmem:s2] =	stream.indirect.scatter.add.f32 [tilespmem:s0], [sflag:$0x4], $0x40, s20, s31, $0xb8;
	[tilespmem:$0x14E60] =	vst v63  }
0x7b: {  	_ =	swait.ge [sflag:s12], $0x400  }
0x7c: {  	s1 =	sadd.s32 $0x1, s1;
	[sflag:s12] =	ssyncset.done $0x0  }
0x7d: {  	p1 =	sne.s32 s1, s11;
	[sflag:s12] =	ssyncadd.s32 $0xFFFFFC00  }
.Ltmp1:
0x7e: {  	s13 =	simm.s32 @!p0 $0x4;
	[bflag:$0x0] =	sbarrier.arrive $0xFFFF;
	(pc) =	sbr.rel @p1 .LBB2_1-.Ltmp1, $4  }
0x7f: {  	[hbm:s10], [sflag:s21] =	dma.local @!p0 [spmem:s25], $0x1F40  }
0x80: {  	_ =	swait.ge @!p0 [sflag:s13], $0x1F40  }
0x81: {  	[sflag:s13] =	ssyncset.done @!p0 $0x0  }
0x82: {  	[sflag:s13] =	ssyncadd.s32 @!p0 $0xFFFFE0C0  }
0x83: {  	_ =	sfence.sel $0x180000  }
0x84: {  	[bflag:$0x0] =	sbarrier.arrive $0xFFFF  }
0x85: {  	_ =	strace $0x9000004D  }
0x86: {  	s0 =	stileid.u32;
	[bflag:$0x2] =	sbarrier.arrive $0xFFFF  }
0x87: {  	p0 =	sne.s32 s0, $0x0;
	s0 =	rddreg [dreg:$0x3]  }
0x88: {  	s0 =	sadd.s32 @!p0 $0x100000, s0  }
0x89: {  	[sflag:s0] =	ssyncadd.tile.s32 @!p0 $0x1;
	_ =	shalt  }
.Lfunc_end2:
_tile_overlayer_lowered:
.L_overlay_start_2:
0x8a: {  	(tag) =	ssettag $0x2  }
0x8b: {  	s0 =	rddreg [dreg:$0x0];
	s2 =	stileid.u32  }
0x8c: {  	s1 =	rddreg [dreg:$0x1];
	p0 =	sne.s32 s2, $0x0  }
0x8d: {  	s3 =	rddreg [dreg:$0x2];
	[bflag:$0x3] =	sbarrier.arrive $0xFFFF;
	s2 =	simm.s32 @!p0 $0x1C04  }
0x8e: {  	[timem:s3], [sflag:s2] =	dma.local @!p0 [hbm:s0], s1  }
0x8f: {  	s0 =	simm.s32 @!p0 $0x4  }
0x90: {  	_ =	swait.ge @!p0 [sflag:s0], s1  }
0x91: {  	s1 =	ssub.s32 @!p0 $0x0, s1;
	[sflag:s0] =	ssyncset.done @!p0 $0x0  }
0x92: {  	[sflag:s0] =	ssyncadd.s32 @!p0 s1  }
0x93: {  	[bflag:$0x3] =	sbarrier.arrive $0xFFFF  }
0x94: {  	_ =	shalt  }

// kernel: kernel.8.cloned.1.call-start
scs
__scs_entry_jumppad:
0x0: {  	(pc) =	sbr.rel $0x88, $3  }
0x1: {  	(tag) =	ssettag $0x0;
	lr =	simm.s32 $0x1  }
0x2: {  	[smem:$0x3F9B] =	sst lr;
	_ =	strace $0xD0000000  }
0x3: {  	_ = 	snop  }
0x4: {  	_ = 	snop  }
0x5: {  	_ = 	snop  }
0x6: {  	_ = 	snop  }
0x7: {  	_ = 	snop  }
__scs_overlays_trampoline_lowered:
0x8: {  	[smem:$0x3FAA] =	sst s0  }
0x9: {  	[smem:$0x3FAB] =	sst s1  }
0xa: {  	[smem:$0x3FAC] =	sst s2  }
0xb: {  	[smem:$0x3FAD] =	sst s3  }
0xc: {  	[smem:$0x3FAE] =	sst s4  }
0xd: {  	[smem:$0x3FAF] =	sst s5  }
0xe: {  	[smem:$0x3FB0] =	sst s6  }
0xf: {  	[smem:$0x3FB1] =	sst s7  }
0x10: {  	[smem:$0x3FB2] =	sst s8  }
0x11: {  	[smem:$0x3FB3] =	sst s9;
	s0 =	simm.s32 @!p0 $0x0  }
0x12: {  	s1 =	sld [smem:$0x3F99];
	s0 =	simm.s32 @p0 $0x1  }
0x13: {  	[smem:$0x3FB4] =	sst s0;
	s0 =	simm.s32 @!p1 $0x0  }
0x14: {  	s2 =	sld [smem:$0x3F98];
	s0 =	simm.s32 @p1 $0x1  }
0x15: {  	[smem:$0x3FB5] =	sst s0;
	s0 =	simm.s32 @!p2 $0x0  }
0x16: {  	s3 =	sld [smem:$0x3FDB];
	s0 =	simm.s32 @p2 $0x1  }
0x17: {  	s4 =	simm.s32 $0x1BF5;
	[smem:$0x3FB7] =	sst s0  }
0x18: {  	s0 =	sld [smem:$0x3F9A];
	_ =	swait.ge [sflag:s4], $0x0  }
0x19: {  	s7 =	sld [smem:$0x3F9B]  }
0x1a: {  	s8 =	sadd.s32 $0xFFFFE003, lr  }
0x1b: {  	s9 =	sadd.s32 $0xFFFFFEF7, lr;
	s5 =	simm.s32 $0xFFFFFFFF;
	p2 =	slt.u32 s8, $0xFFFFF086  }
0x1c: {  	p1 =	slt.u32 s9, $0xF7A;
	s5 =	simm.s32 @!p2 $0x0  }
0x1d: {  	s5 =	simm.s32 @p1 $0x1;
	p0 =	seq.s32 s7, s2  }
0x1e: {  	s7 =	smul.u32 @!p0 $0xF7A, s2;
	p2 =	seq.s32 @!p0 s5, $0x0  }
0x1f: {  	s9 =	smul.u32 $0xF7A, s1;
	s8 =	simm.s32 @!p0 $0x1BF5;
	p2 =	por !p2, p0  }
0x20: {  	[sflag:s8] =	ssyncset.s32 @!p0 $0xFFFFF086;
	s6 =	sadd.s32 @!p0 s3, s7;
	s7 =	simm.s32 @!p0 $0x108  }
0x21: {  	s3 =	sadd.s32 s3, s9;
	s6 =	sadd.s32 @!p0 $0x88, s6;
	s7 =	simm.s32 @p2 $0x1082  }
0x22: {  	[simem:s7], [sflag:s8] =	dma.local @!p0 [hbm:s6], $0xF7A  }
0x23: {  	s9 =	sor.u32 $0xD0000000, s2;
	s6 =	simm.s32 $0x108;
	_ =	swait.ge @!p0 [sflag:s8], $0x0  }
0x24: {  	s3 =	sadd.s32 $0x88, s3;
	s6 =	simm.s32 @!p1 $0x1082;
	[sflag:s4] =	ssyncset.s32 $0xFFFFF086  }
0x25: {  	[simem:s6], [sflag:s4] =	dma.local [hbm:s3], $0xF7A  }
0x26: {  	[smem:$0x3F9B] =	sst s1;
	(tag) =	ssettag s2;
	_ =	strace s9  }
0x27: {  	s1 =	sld [smem:$0x3FAB]  }
0x28: {  	s2 =	sld [smem:$0x3FAC]  }
0x29: {  	s4 =	sld [smem:$0x3FAE]  }
0x2a: {  	p0 =	seq.s32 s5, $0x0;
	s5 =	sld [smem:$0x3FAF]  }
0x2b: {  	s6 =	sld [smem:$0x3FB0]  }
0x2c: {  	s7 =	sld [smem:$0x3FB1]  }
0x2d: {  	s3 =	simm.s32 $0x108;
	s8 =	sld [smem:$0x3FB2]  }
0x2e: {  	s3 =	simm.s32 @!p0 $0x1082;
	s9 =	sld [smem:$0x3FB3]  }
0x2f: {  	lr =	sadd.s32 s0, s3;
	s0 =	sld [smem:$0x3FAA]  }
0x30: {  	s3 =	sld [smem:$0x3FAD]  }
0x31: {  	[smem:$0x3FB6] =	sst s10  }
0x32: {  	s10 =	sld [smem:$0x3FB4];
	_ =	sdelay $0x3  }
0x33: {  	p0 =	seq.s32 s10, $0x1;
	s10 =	sld [smem:$0x3FB6];
	_ =	sdelay $0x3  }
0x34: {  	[smem:$0x3FB6] =	sst s10  }
0x35: {  	s10 =	sld [smem:$0x3FB5];
	_ =	sdelay $0x3  }
0x36: {  	p1 =	seq.s32 s10, $0x1;
	s10 =	sld [smem:$0x3FB6];
	_ =	sdelay $0x3  }
0x37: {  	[smem:$0x3FB6] =	sst s10  }
0x38: {  	s10 =	sld [smem:$0x3FB7]  }
0x39: {  	_ = 	snop;
	(pc) =	sbr.ind lr, $3  }
0x3a: {  	_ = 	snop  }
0x3b: {  	_ = 	snop  }
0x3c: {  	p2 =	seq.s32 s10, $0x1;
	s10 =	sld [smem:$0x3FB6]  }
0x3d: {  	_ =	shalt  }
0x3e: {  	_ =	shalt  }
0x3f: {  	_ =	shalt  }
0x40: {  	_ =	shalt  }
0x41: {  	_ =	shalt  }
0x42: {  	_ =	shalt  }
0x43: {  	_ =	shalt  }
0x44: {  	_ =	shalt  }
0x45: {  	_ =	shalt  }
0x46: {  	_ =	shalt  }
0x47: {  	_ =	shalt  }
0x48: {  	_ =	shalt  }
0x49: {  	_ =	shalt  }
0x4a: {  	_ =	shalt  }
0x4b: {  	_ =	shalt  }
0x4c: {  	_ =	shalt  }
0x4d: {  	_ =	shalt  }
0x4e: {  	_ =	shalt  }
0x4f: {  	_ =	shalt  }
0x50: {  	_ =	shalt  }
0x51: {  	_ =	shalt  }
0x52: {  	_ =	shalt  }
0x53: {  	_ =	shalt  }
0x54: {  	_ =	shalt  }
0x55: {  	_ =	shalt  }
0x56: {  	_ =	shalt  }
0x57: {  	_ =	shalt  }
0x58: {  	_ =	shalt  }
0x59: {  	_ =	shalt  }
0x5a: {  	_ =	shalt  }
0x5b: {  	_ =	shalt  }
0x5c: {  	_ =	shalt  }
0x5d: {  	_ =	shalt  }
0x5e: {  	_ =	shalt  }
0x5f: {  	_ =	shalt  }
0x60: {  	_ =	shalt  }
0x61: {  	_ =	shalt  }
0x62: {  	_ =	shalt  }
0x63: {  	_ =	shalt  }
0x64: {  	_ =	shalt  }
0x65: {  	_ =	shalt  }
0x66: {  	_ =	shalt  }
0x67: {  	_ =	shalt  }
0x68: {  	_ =	shalt  }
0x69: {  	_ =	shalt  }
0x6a: {  	_ =	shalt  }
0x6b: {  	_ =	shalt  }
0x6c: {  	_ =	shalt  }
0x6d: {  	_ =	shalt  }
0x6e: {  	_ =	shalt  }
0x6f: {  	_ =	shalt  }
0x70: {  	_ =	shalt  }
0x71: {  	_ =	shalt  }
0x72: {  	_ =	shalt  }
0x73: {  	_ =	shalt  }
0x74: {  	_ =	shalt  }
0x75: {  	_ =	shalt  }
0x76: {  	_ =	shalt  }
0x77: {  	_ =	shalt  }
0x78: {  	_ =	shalt  }
0x79: {  	_ =	shalt  }
0x7a: {  	_ =	shalt  }
0x7b: {  	_ =	shalt  }
0x7c: {  	_ =	shalt  }
0x7d: {  	_ =	shalt  }
0x7e: {  	_ =	shalt  }
0x7f: {  	_ =	shalt  }
0x80: {  	_ =	shalt  }
0x81: {  	_ =	shalt  }
0x82: {  	_ =	shalt  }
0x83: {  	_ =	shalt  }
0x84: {  	_ =	shalt  }
0x85: {  	_ =	shalt  }
0x86: {  	_ =	shalt  }
0x87: {  	_ =	shalt  }
.Lfunc_end0:
.L_simem_size_0:
called_computation_lowered:
.L_overlay_start_0:
0x88: {  	s2 =	sld [smem:$0x3FD9]  }
0x89: {  	s3 =	sld [smem:$0x3FFE];
	_ =	sdelay $0x1  }
0x8a: {  	s1 =	srdreg.scid  }
0x8b: {  	s0 =	sand.u32 $0x1, s1  }
0x8c: {  	s17 =	sshll.u32 s0, $0xA;
	s2 =	sadd.s32 s3, s2  }
0x8d: {  	s2 =	sadd.s32 s2, s17  }
0x8e: {  	[smem:$0x3FC2] =	sst s2  }
0x8f: {  	_ = 	snop  }
0x90: {  	s2 =	sld [smem:$0x3FD0];
	(tm) =	ssettm $0x1  }
0x91: {  	s18 =	sld [smem:$0x3FFB];
	_ =	sdelay $0x3  }
0x92: {  	_ =	strace s18  }
0x93: {  	s3 =	sld [smem:$0x3FFC];
	_ =	sdelay $0x3  }
0x94: {  	_ =	strace s3  }
0x95: {  	s3 =	sld [smem:$0x3FFD];
	_ =	sdelay $0x3  }
0x96: {  	_ =	strace s3  }
0x97: {  	_ =	strace $0x8FFFFFFF  }
0x98: {  	s19 =	sld [smem:$0x3FDB];
	_ =	sdelay $0x1  }
0x99: {  	s4 =	simm.s32 $_scs_section_size  }
0x9a: {  	s5 =	simm.s32 $_size__tile_overlayer_lowered;
	s6 =	simm.s32 $_tile_overlayer_lowered  }
0x9b: {  	s22 =	simm.s32 $0x1BFF;
	s21 =	sshll.u32 s6, $0x1;
	s3 =	sadd.s32 s4, s19  }
0x9c: {  	s7 =	simm.s32 $0x0;
	s20 =	sshll.u32 s5, $0x1;
	s5 =	sadd.s32 s21, s3  }
0x9d: {  	[timem:s7], [sflag:s22] =	dma.local [hbm:s5], s20  }
0x9e: {  	_ =	swait.ge [sflag:s22], s20  }
0x9f: {  	s4 =	ssub.s32 $0x0, s20;
	[sflag:s22] =	ssyncset.done $0x0  }
0xa0: {  	[sflag:s22] =	ssyncadd.s32 s4;
	_ =	sdelay $0x1  }
0xa1: {  	s23 =	simm.s32 $0x1B8B  }
0xa2: {  	_ =	swait.ge [sflag:s23], $0x1  }
0xa3: {  	[sflag:s23] =	ssyncset.done $0x0  }
0xa4: {  	s25 =	simm.s32 $0x1B8E;
	s24 =	sld [smem:$0x3FFE];
	[sflag:s23] =	ssyncadd.s32 $0xFFFFFFFF  }
0xa5: {  	s26 =	simm.s32 $execute0_lowered;
	[smem:$0x3FD2] =	sst s25  }
0xa6: {  	s5 =	sshll.u32 s26, $0x1;
	_ =	strace $0x80000046;
	[dreg:$0x1] =	wrdreg $0xFFFFFFFF  }
0xa7: {  	s28 =	simm.s32 $_size_execute0_lowered;
	s3 =	sadd.s32 s3, s5;
	[dreg:$0x0] =	wrdreg $0x0  }
0xa8: {  	s5 =	sshll.u32 s28, $0x1;
	[dreg:$0x2] =	wrdreg s3  }
0xa9: {  	[dreg:$0x3] =	wrdreg s5  }
0xaa: {  	[dreg:$0x4] =	wrdreg $0xC0  }
0xab: {  	_ =	task [dreg:s7], $0x5FFFF  }
0xac: {  	[dreg:$0x1] =	wrdreg $0xFFFFFFFF  }
0xad: {  	[dreg:$0x0] =	wrdreg $0x60  }
0xae: {  	[dreg:$0x2] =	wrdreg s2  }
0xaf: {  	[dreg:$0x3] =	wrdreg s24  }
0xb0: {  	[dreg:$0x4] =	wrdreg $0x2A800  }
0xb1: {  	[dreg:$0x5] =	wrdreg $0x9  }
0xb2: {  	_ =	task.clear_ibuf [dreg:s7], $0x6FFFF;
	_ =	strace $0x90000046  }
0xb3: {  	s29 =	simm.s32 $0x9;
	_ =	strace $0x80000048  }
0xb4: {  	_ =	swait.ge [sflag:s29], $0x1  }
0xb5: {  	[sflag:s29] =	ssyncadd.s32 $0xFFFFFFFF  }
0xb6: {  	_ =	strace $0x90000048  }
0xb7: {  	_ =	sfence  }
0xb8: {  	s30 =	sld [smem:$0x0];
	_ =	sdelay $0x2  }
0xb9: {  	s31 =	sshll.u32 s1, $0xD;
	s1 =	sshrl.u32 s1, $0x2  }
0xba: {  	s3 =	sand.u32 $0x4000, s31;
	s1 =	sadd.s32 s1, s30  }
0xbb: {  	s0 =	sor.u32 s3, s0;
	s1 =	sshll.u32 s1, $0x11  }
0xbc: {  	s0 =	sor.u32 s1, s0  }
0xbd: {  	s0 =	sadd.s32 $0x8F2B, s0  }
0xbe: {  	[sflag:s0] =	ssyncadd.remote.s32 $0x1  }
0xbf: {  	_ =	sfence.sel $0xFFFF  }
0xc0: {  	[dreg:$0x0] =	wrdreg $0xFFFFFFFF;
	(pc) =	sbr.abs _section_cstart, $3  }
0xc1: {  	[dreg:$0x1] =	wrdreg $0xFFFFFFFF  }
0xc2: {  	_ =	task.clear_ibuf [dreg:s7], $0x2FFFF;
	_ =	strace $0x9FFFFFFF  }
0xc3: {  	(tm) =	ssettm $0x7FFFFFFF  }
tec
execute0_lowered:
.L_overlay_start_1:
0x0: {  	(tag) =	ssettag $0x1  }
0x1: {  	s4 =	rddreg [dreg:$0x0]  }
0x2: {  	s5 =	rddreg [dreg:$0x1]  }
0x3: {  	s2 =	rddreg [dreg:$0x2]  }
0x4: {  	s0 =	rddreg [dreg:$0x3];
	s3 =	srdreg.scid  }
0x5: {  	s1 =	stileid.u32;
	s11 =	simm.s32 $0x2780;
	s12 =	simm.s32 $0x1  }
0x6: {  	s13 =	simm.s32 $0x10;
	s14 =	simm.s32 $0x2700;
	s17 =	simm.s32 $0x0  }
0x7: {  	s6 =	sand.u32 $0x1, s3;
	s7 =	smul.u32 $0x280, s1;
	s8 =	sshll.u32 s1, $0x1  }
0x8: {  	s3 =	simm.s32 $0x0;
	s15 =	sshll.u32 s1, $0x6;
	s9 =	smul.u32 $0x2800, s6  }
0x9: {  	s8 =	sor.u32 s6, s8;
	[smem:$0x7FF] =	sst s3;
	s6 =	ssub.s32 $0x2, s6  }
0xa: {  	s15 =	sor.u32 $0x1C02, s15;
	s8 =	smul.u32 $0x2710, s8;
	s9 =	sadd.s32 s7, s9  }
0xb: {  	_ =	strace $0x80000047;
	s10 =	sshrl.u32 s6, $0x1;
	s9 =	sshrl.u32 s9, $0x3  }
0xc: {  	s10 =	ssub.s32 s6, s10;
	s8 =	sshrl.u32 s8, $0x3;
	s9 =	sadd.s32 s9, s5  }
0xd: {  	s31 =	sadd.s32 s4, s8;
	s4 =	sadd.s32 s7, s2;
	s7 =	smax.u32 s10, $0x1  }
0xe: {  	s8 =	simm.s32 $0x2800;
	s10 =	simm.s32 $0x80;
	s5 =	sadd.s32 $0x9C40, s31  }
0xf: {  	v0 =	vimm.f32 $1.000000000e+00;
	v1 =	vimm.f32 $0.0e+00;
	s6 =	sadd.s32 $0x2200, s9;
	s9 =	simm.s32 $0x2;
	s16 =	sshrl.u32 s4, $0x3  }
.LBB2_1:
0x10: {  	[tilespmem:$0x2780] =	vst v0  }
0x11: {  	[tilespmem:$0x2790] =	vst v0  }
0x12: {  	[tilespmem:$0x27A0] =	vst v0  }
0x13: {  	[tilespmem:$0x27B0] =	vst v0  }
0x14: {  	[tilespmem:$0x27C0] =	vst v0  }
0x15: {  	[tilespmem:$0x27D0] =	vst v0  }
0x16: {  	[tilespmem:$0x27E0] =	vst v0  }
0x17: {  	[tilespmem:$0x27F0] =	vst v0  }
0x18: {  	[tilespmem:$0x2800] =	vst v1  }
0x19: {  	[tilespmem:$0x2810] =	vst v1  }
0x1a: {  	[tilespmem:$0x2820] =	vst v1  }
0x1b: {  	[tilespmem:$0x2830] =	vst v1  }
0x1c: {  	[tilespmem:$0x2840] =	vst v1  }
0x1d: {  	[tilespmem:$0x2850] =	vst v1  }
0x1e: {  	[tilespmem:$0x2860] =	vst v1  }
0x1f: {  	[tilespmem:$0x2870] =	vst v1  }
0x20: {  	[tilespmem:$0x2880] =	vst v1  }
0x21: {  	[tilespmem:$0x2890] =	vst v1  }
0x22: {  	[tilespmem:$0x28A0] =	vst v1  }
0x23: {  	[tilespmem:$0x28B0] =	vst v1  }
0x24: {  	[tilespmem:$0x28C0] =	vst v1  }
0x25: {  	[tilespmem:$0x28D0] =	vst v1  }
0x26: {  	[tilespmem:$0x28E0] =	vst v1  }
0x27: {  	[tilespmem:$0x28F0] =	vst v1  }
0x28: {  	[tilespmem:$0x2900] =	vst v1  }
0x29: {  	[tilespmem:$0x2910] =	vst v1  }
0x2a: {  	[tilespmem:$0x2920] =	vst v1  }
0x2b: {  	[tilespmem:$0x2930] =	vst v1  }
0x2c: {  	[tilespmem:$0x2940] =	vst v1  }
0x2d: {  	[tilespmem:$0x2950] =	vst v1  }
0x2e: {  	[tilespmem:$0x2960] =	vst v1  }
0x2f: {  	[tilespmem:$0x2970] =	vst v1  }
0x30: {  	[tilespmem:$0x2980] =	vst v1  }
0x31: {  	[tilespmem:$0x2990] =	vst v1  }
0x32: {  	[tilespmem:$0x29A0] =	vst v1  }
0x33: {  	[tilespmem:$0x29B0] =	vst v1  }
0x34: {  	[tilespmem:$0x29C0] =	vst v1  }
0x35: {  	[tilespmem:$0x29D0] =	vst v1  }
0x36: {  	[tilespmem:$0x29E0] =	vst v1  }
0x37: {  	[tilespmem:$0x29F0] =	vst v1  }
0x38: {  	[tilespmem:$0x2A00] =	vst v1  }
0x39: {  	[tilespmem:$0x2A10] =	vst v1  }
0x3a: {  	[tilespmem:$0x2A20] =	vst v1  }
0x3b: {  	[tilespmem:$0x2A30] =	vst v1  }
0x3c: {  	[tilespmem:$0x2A40] =	vst v1  }
0x3d: {  	[tilespmem:$0x2A50] =	vst v1  }
0x3e: {  	[tilespmem:$0x2A60] =	vst v1  }
0x3f: {  	[tilespmem:$0x2A70] =	vst v1  }
0x40: {  	[spmem:s4] =	stream.linear.scatter [tilespmem:s8], [sflag:$0x2], $0x280, $0x38;
	[tilespmem:$0x2D00] =	vst v63  }
0x41: {  	_ =	swait.ge [sflag:s9], $0x280  }
0x42: {  	[sflag:s9] =	ssyncset.done $0x0  }
0x43: {  	[sflag:s9] =	ssyncadd.s32 $0xFFFFFD80  }
0x44: {  	[tilespmem:s3], [sflag:$0x2] =	stream.linear.gather [hbm4b:s5+s3], $0x2710, $0x38;
	[tilespmem:$0x2D00] =	vst v63  }
0x45: {  	_ =	swait.ge [sflag:s9], $0x2710  }
0x46: {  	[sflag:s9] =	ssyncset.done $0x0  }
0x47: {  	[sflag:s9] =	ssyncadd.s32 $0xFFFFD8F0  }
0x48: {  	s18 =	simm.s32 $0x0;
	[bflag:$0x0] =	sbarrier.arrive $0xFFFF  }
.LBB2_2:
0x49: {  	p0 =	sne.s32 s18, $0x9A00  }
.Ltmp0:
0x4a: {  	_ = 	snop;
	(pc) =	sbr.rel @p0 .LBB2_2-.Ltmp0, $3  }
0x4b: {  	_ =	sdelay $0x1  }
0x4c: {  	s19 =	sshra.s32 s18, $0x2;
	s18 =	sadd.s32 $0x200, s18  }
0x4d: {  	[spmem:s2] =	stream.indirect.scatter.add.f32 [tilespmem:s11], [sflag:$0x1], $0x1, s19, s10, $0xb8;
	[tilespmem:$0x2D00] =	vst v63  }
0x4e: {  	_ =	swait.ge [sflag:s12], $0x80  }
0x4f: {  	s18 =	simm.s32 $0x4D;
	[sflag:s12] =	ssyncset.done $0x0  }
.LBB2_4:
0x50: {  	p0 =	sne.s32 s18, $0x1;
	s18 =	sadd.s32 $0xFFFFFFFF, s18;
	[sflag:s12] =	ssyncadd.s32 $0xFFFFFF80  }
.Ltmp1:
0x51: {  	(pc) =	sbr.rel @p0 .LBB2_4-.Ltmp1, $3  }
0x52: {  	_ =	sdelay $0x1  }
0x53: {  	_ =	swait.ge [sflag:s12], $0x80  }
0x54: {  	[sflag:s12] =	ssyncset.done $0x0  }
0x55: {  	[sflag:s12] =	ssyncadd.s32 $0xFFFFFF80  }
0x56: {  	[spmem:s2] =	stream.indirect.scatter.add.f32 [tilespmem:s11], [sflag:$0x2], $0x1, s14, s13, $0xb8;
	[tilespmem:$0x2D00] =	vst v63  }
0x57: {  	_ =	swait.ge [sflag:s9], $0x10  }
0x58: {  	s17 =	sadd.s32 $0x1, s17;
	[sflag:s9] =	ssyncset.done $0x0  }
0x59: {  	p0 =	sne.s32 s17, s7;
	[sflag:s9] =	ssyncadd.s32 $0xFFFFFFF0  }
.Ltmp2:
0x5a: {  	[bflag:$0x0] =	sbarrier.arrive $0xFFFF;
	(pc) =	sbr.rel @p0 .LBB2_1-.Ltmp2, $4  }
0x5b: {  	[hbm:s6], [sflag:s15] =	dma.local [spmem:s16], $0x50  }
0x5c: {  	_ =	swait.ge [sflag:s9], $0x50  }
0x5d: {  	[sflag:s9] =	ssyncset.done $0x0  }
0x5e: {  	[sflag:s9] =	ssyncadd.s32 $0xFFFFFFB0  }
0x5f: {  	_ =	sfence.sel $0x180000  }
0x60: {  	[bflag:$0x0] =	sbarrier.arrive $0xFFFF  }
0x61: {  	p0 =	sne.s32 s1, $0x0;
	_ =	strace $0x90000047  }
0x62: {  	s0 =	sadd.s32 @!p0 $0x100000, s0;
	[bflag:$0x2] =	sbarrier.arrive $0xFFFF  }
0x63: {  	[sflag:s0] =	ssyncadd.tile.s32 @!p0 $0x1;
	_ =	shalt  }
.Lfunc_end2:
_tile_overlayer_lowered:
.L_overlay_start_2:
0x64: {  	(tag) =	ssettag $0x2  }
0x65: {  	s0 =	rddreg [dreg:$0x0];
	s2 =	stileid.u32  }
0x66: {  	s1 =	rddreg [dreg:$0x1];
	p0 =	sne.s32 s2, $0x0  }
0x67: {  	s3 =	rddreg [dreg:$0x2];
	[bflag:$0x3] =	sbarrier.arrive $0xFFFF;
	s2 =	simm.s32 @!p0 $0x1C02  }
0x68: {  	[timem:s3], [sflag:s2] =	dma.local @!p0 [hbm:s0], s1  }
0x69: {  	s0 =	simm.s32 @!p0 $0x2  }
0x6a: {  	_ =	swait.ge @!p0 [sflag:s0], s1  }
0x6b: {  	s1 =	ssub.s32 @!p0 $0x0, s1;
	[sflag:s0] =	ssyncset.done @!p0 $0x0  }
0x6c: {  	[sflag:s0] =	ssyncadd.s32 @!p0 s1  }
0x6d: {  	[bflag:$0x3] =	sbarrier.arrive $0xFFFF  }
0x6e: {  	_ =	shalt  }

</sc_bundles>
